<compile_context>
chip_gen: v7x
topology: tpu7x:2x2x1
jax: 0.10.2.dev20260603
libtpu: 0.0.44.dev20260713+nightly
codegen_flags: <defaults>
</compile_context>

<pallas_src>
import functools

import jax
import jax.numpy as jnp
from jax import lax
from jax.experimental import pallas as pl
from jax.experimental.pallas import tpu as pltpu
from jax.experimental.pallas import tpu_sc as plsc

VOCAB = 1000000
EMBED_DIM = 64
BATCH = 16384
N_FIELDS = 26

NC, NS = 2, 16
NW = NC * NS
B = BATCH * N_FIELDS
B_PER_W = B // NW
IDX_W = 128
NG = B_PER_W // IDX_W
NBUF = 4
NROUND = NG // NBUF
PAIR_ROWS = VOCAB // 2

_mesh = plsc.VectorSubcoreMesh(core_axis_name="c", subcore_axis_name="s")

_scratch = (
    [pltpu.VMEM((NG, IDX_W), jnp.int32),
     pltpu.VMEM((NG, IDX_W), jnp.int32)]
    + [pltpu.VMEM((IDX_W, 2 * EMBED_DIM), jnp.float32) for _ in range(NBUF)]
    + [pltpu.VMEM((IDX_W, EMBED_DIM), jnp.float32) for _ in range(NBUF)]
    + [pltpu.SemaphoreType.DMA for _ in range(2 * NBUF)]
)


@functools.partial(
    pl.kernel,
    out_type=jax.ShapeDtypeStruct((B, EMBED_DIM), jnp.float32),
    mesh=_mesh,
    scratch_types=_scratch,
    compiler_params=pltpu.CompilerParams(use_tc_tiling_on_sc=False,
                                         needs_layout_passes=False),
)
def _sc_gather(table, idx, out, idx_v, par_v, *bufs_and_sems):
    wide = bufs_and_sems[:NBUF]
    outb = bufs_and_sems[NBUF:2 * NBUF]
    gsems = bufs_and_sems[2 * NBUF:3 * NBUF]
    ssems = bufs_and_sems[3 * NBUF:]
    wid = lax.axis_index("s") * NC + lax.axis_index("c")
    base = wid * B_PER_W
    pltpu.sync_copy(idx.at[wid], idx_v)

    iota = lax.iota(jnp.int32, 16)

    def prep(g):
        for j0 in range(0, IDX_W, 16):
            v = idx_v[g, pl.ds(j0, 16)]
            idx_v[g, pl.ds(j0, 16)] = v >> 1
            par_v[g, pl.ds(j0, 16)] = (v & 1) * EMBED_DIM

    pl.loop(0, NG)(prep)

    def fire(g, b):
        pltpu.async_copy(table.at[idx_v.at[g]], wide[b], gsems[b])

    def drain_gather(b):
        pltpu.make_async_copy(table.at[pl.ds(0, IDX_W)], wide[b],
                              gsems[b]).wait()

    def drain_store(b):
        pltpu.make_async_copy(out.at[pl.ds(0, IDX_W)], outb[b],
                              ssems[b]).wait()

    def select(g, b):
        def row(j):
            pj = plsc.load_gather(
                par_v, [jnp.full((16,), g, jnp.int32),
                        jnp.full((16,), j, jnp.int32)])
            for k in range(0, EMBED_DIM, 16):
                vec = plsc.load_gather(
                    wide[b], [jnp.full((16,), j, jnp.int32), pj + (iota + k)])
                outb[b][j, pl.ds(k, 16)] = vec

        pl.loop(0, IDX_W)(row)

    for b in range(NBUF):
        fire(b, b)

    def step(i):
        for b in range(NBUF):
            g = i * NBUF + b
            drain_gather(b)

            @pl.when(g >= NBUF)
            def _():
                drain_store(b)

            select(g, b)
            pltpu.async_copy(outb[b], out.at[pl.ds(base + g * IDX_W, IDX_W)],
                             ssems[b])
            g_next = g + NBUF

            @pl.when(g_next < NG)
            def _():
                fire(g_next, b)

    pl.loop(0, NROUND)(step)
    for b in range(NBUF):
        drain_store(b)


def kernel(context, W):
    table = W.reshape(PAIR_ROWS, 2 * EMBED_DIM)
    idx = context.astype(jnp.int32).reshape(NW, NG, IDX_W)
    out = _sc_gather(table, idx)
    return out.reshape(BATCH, N_FIELDS, EMBED_DIM)

# --- scband reference (transcript-rebuilt; emitter-appended) ---
"""Pipeline reference for scband-linear-embedding-block-43207370997968 (READ-ONLY COPY).

The authoritative reference and input builder live on the scoring server;
editing this copy changes nothing except your own understanding.
"""

import jax, jax.numpy as jnp
import numpy as np

VOCAB = 1000000
EMBED_DIM = 64
BATCH = 16384
N_FIELDS = 26


def setup_inputs(seed: int = 0) -> dict:
    key = jax.random.key(seed)
    k_idx, k_w = jax.random.split(key)
    context = jax.random.randint(k_idx, (BATCH, N_FIELDS), 0, VOCAB, dtype=jnp.int64 if jax.config.jax_enable_x64 else jnp.int32)
    # Embedding table (nn.Embedding default init ~ N(0,1))
    W = jax.random.normal(k_w, (VOCAB, EMBED_DIM), dtype=jnp.float32)
    return {"context": context, "W": W}


def reference(context, W):
    # pre_onehot=False, use_embed=True -> context passes straight into nn.Embedding
    # nn.Embedding(context) == table gather along axis 0
    return jnp.take(W, context, axis=0)

if __name__ == "__main__":
    import jax
    _d = setup_inputs()
    print(jax.jit(kernel)(*tuple(_d.values())))

</pallas_src>

<mosaic_0001>
#map = affine_map<(d0, d1) -> (0, 0)>
#map1 = affine_map<(d0, d1) -> (0, 0, 0)>
module attributes {stable_mosaic.version = 14 : i64} {
  func.func @_sc_gather(%arg0: i32, %arg1: i32, %arg2: memref<500000x128xf32, #tpu.memory_space<hbm>>, %arg3: memref<32x104x128xi32, #tpu.memory_space<hbm>>, %arg4: memref<425984x64xf32, #tpu.memory_space<hbm>>, %arg5: memref<104x128xi32, #tpu.memory_space<vmem>>, %arg6: memref<104x128xi32, #tpu.memory_space<vmem>>, %arg7: memref<128x128xf32, #tpu.memory_space<vmem>>, %arg8: memref<128x128xf32, #tpu.memory_space<vmem>>, %arg9: memref<128x128xf32, #tpu.memory_space<vmem>>, %arg10: memref<128x128xf32, #tpu.memory_space<vmem>>, %arg11: memref<128x64xf32, #tpu.memory_space<vmem>>, %arg12: memref<128x64xf32, #tpu.memory_space<vmem>>, %arg13: memref<128x64xf32, #tpu.memory_space<vmem>>, %arg14: memref<128x64xf32, #tpu.memory_space<vmem>>, %arg15: memref<!tpu.dma_semaphore, #tpu.memory_space<semaphore_mem>>, %arg16: memref<!tpu.dma_semaphore, #tpu.memory_space<semaphore_mem>>, %arg17: memref<!tpu.dma_semaphore, #tpu.memory_space<semaphore_mem>>, %arg18: memref<!tpu.dma_semaphore, #tpu.memory_space<semaphore_mem>>, %arg19: memref<!tpu.dma_semaphore, #tpu.memory_space<semaphore_mem>>, %arg20: memref<!tpu.dma_semaphore, #tpu.memory_space<semaphore_mem>>, %arg21: memref<!tpu.dma_semaphore, #tpu.memory_space<semaphore_mem>>, %arg22: memref<!tpu.dma_semaphore, #tpu.memory_space<semaphore_mem>>) attributes {dimension_semantics = [#tpu.dimension_semantics<core_parallel>, #tpu.dimension_semantics<subcore_parallel>], iteration_bounds = array<i64: 2, 16>, scalar_prefetch = 0 : i64, scratch_operands = 18 : i64, tpu.core_type = #tpu.core_type<sc_vector_subcore>, window_params = [{transform_indices = #map}, {transform_indices = #map1}, {transform_indices = #map}]} {
    %mul3A = arith.constant 2 : i32
    %mul3A_0 = arith.muli %arg1, %mul3A : i32
    %add3A = arith.addi %mul3A_0, %arg0 : i32
    %mul3A_1 = arith.constant 13312 : i32
    %mul3A_2 = arith.muli %add3A, %mul3A_1 : i32
    "tpu.region"() ({
      %run_scoped3A = tpu.sem_alloc : memref<!tpu.dma_semaphore, #tpu.memory_space<semaphore_mem>>
      %dma_start3A_62 = arith.constant 0 : i32
      %dma_start3A_63 = arith.constant 0 : i32
      %dma_start3A_64 = tpu.memref_slice %arg3[%add3A, %dma_start3A_62, %dma_start3A_63] : memref<32x104x128xi32, #tpu.memory_space<hbm>> -> memref<1x104x128xi32, #tpu.memory_space<hbm>>
      %dma_start3A_65 = tpu.memref_squeeze %dma_start3A_64 : memref<1x104x128xi32, #tpu.memory_space<hbm>> -> memref<104x128xi32, #tpu.memory_space<hbm>>
      %dma_start3A_66 = arith.constant 0 : i32
      %dma_start3A_67 = arith.constant 0 : i32
      %dma_start3A_68 = tpu.memref_slice %arg3[%add3A, %dma_start3A_66, %dma_start3A_67] : memref<32x104x128xi32, #tpu.memory_space<hbm>> -> memref<1x104x128xi32, #tpu.memory_space<hbm>>
      %dma_start3A_69 = tpu.memref_squeeze %dma_start3A_68 : memref<1x104x128xi32, #tpu.memory_space<hbm>> -> memref<104x128xi32, #tpu.memory_space<hbm>>
      tpu.enqueue_dma source(%dma_start3A_69 : memref<104x128xi32, #tpu.memory_space<hbm>>) target(%arg5 : memref<104x128xi32, #tpu.memory_space<vmem>>) target_semaphore(%run_scoped3A : memref<!tpu.dma_semaphore, #tpu.memory_space<semaphore_mem>>)
      %dma_wait3A_70 = arith.constant 0 : i32
      %dma_wait3A_71 = arith.constant 0 : i32
      %dma_wait3A_72 = tpu.memref_slice %arg3[%add3A, %dma_wait3A_70, %dma_wait3A_71] : memref<32x104x128xi32, #tpu.memory_space<hbm>> -> memref<1x104x128xi32, #tpu.memory_space<hbm>>
      %dma_wait3A_73 = tpu.memref_squeeze %dma_wait3A_72 : memref<1x104x128xi32, #tpu.memory_space<hbm>> -> memref<104x128xi32, #tpu.memory_space<hbm>>
      %dma_wait3A_74 = arith.constant 0 : i32
      %dma_wait3A_75 = arith.constant 0 : i32
      %dma_wait3A_76 = tpu.memref_slice %arg3[%add3A, %dma_wait3A_74, %dma_wait3A_75] : memref<32x104x128xi32, #tpu.memory_space<hbm>> -> memref<1x104x128xi32, #tpu.memory_space<hbm>>
      %dma_wait3A_77 = tpu.memref_squeeze %dma_wait3A_76 : memref<1x104x128xi32, #tpu.memory_space<hbm>> -> memref<104x128xi32, #tpu.memory_space<hbm>>
      tpu.wait_dma2 semaphore(%run_scoped3A : memref<!tpu.dma_semaphore, #tpu.memory_space<semaphore_mem>>) src(%dma_wait3A_77 : memref<104x128xi32, #tpu.memory_space<hbm>>) dst(%arg5 : memref<104x128xi32, #tpu.memory_space<vmem>>)
      tpu.yield
    }) : () -> ()
    %iota3A = tpu.iota {dimensions = array<i32: 0>} : vector<16xi32>
    %scan3A = arith.constant 0 : i32
    %scan3A_3 = arith.constant 104 : i32
    %scan3A_4 = arith.addi %scan3A, %scan3A_3 : i32
    %scan3A_5 = arith.constant 1 : i32
    scf.for %scan3A_62 = %scan3A to %scan3A_4 step %scan3A_5  : i32 {
      %mul3A_63 = arith.constant 1 : i32
      %mul3A_64 = arith.muli %scan3A_62, %mul3A_63 : i32
      %add3A_65 = arith.constant 0 : i32
      %add3A_66 = arith.addi %add3A_65, %mul3A_64 : i32
      %get3A = arith.index_cast %add3A_66 : i32 to index
      %get3A_67 = arith.constant 0 : index
      %get3A_68 = tpu.vector_load %arg5[%get3A, %get3A_67] {strides = array<i32>} : memref<104x128xi32, #tpu.memory_space<vmem>>, vector<16xi32>,
      %shift_right_arithmetic3A = arith.constant 1 : i32
      %shift_right_arithmetic3A_69 = vector.broadcast %shift_right_arithmetic3A : i32 to vector<16xi32>
      %shift_right_arithmetic3A_70 = arith.shrsi %get3A_68, %shift_right_arithmetic3A_69 : vector<16xi32>
      %swap3A = arith.index_cast %add3A_66 : i32 to index
      %swap3A_71 = arith.constant 0 : index
      %swap3A_72 = tpu.vector_load %arg5[%swap3A, %swap3A_71] {strides = array<i32>} : memref<104x128xi32, #tpu.memory_space<vmem>>, vector<16xi32>,
      tpu.vector_store %arg5[%swap3A, %swap3A_71], %shift_right_arithmetic3A_70 {strides = array<i32>} : memref<104x128xi32, #tpu.memory_space<vmem>>, vector<16xi32>,
      %and3A = arith.constant 1 : i32
      %and3A_73 = vector.broadcast %and3A : i32 to vector<16xi32>
      %and3A_74 = arith.andi %get3A_68, %and3A_73 : vector<16xi32>
      %mul3A_75 = arith.constant 64 : i32
      %mul3A_76 = vector.broadcast %mul3A_75 : i32 to vector<16xi32>
      %mul3A_77 = arith.muli %and3A_74, %mul3A_76 : vector<16xi32>
      %swap3A_78 = arith.index_cast %add3A_66 : i32 to index
      %swap3A_79 = arith.constant 0 : index
      %swap3A_80 = tpu.vector_load %arg6[%swap3A_78, %swap3A_79] {strides = array<i32>} : memref<104x128xi32, #tpu.memory_space<vmem>>, vector<16xi32>,
      tpu.vector_store %arg6[%swap3A_78, %swap3A_79], %mul3A_77 {strides = array<i32>} : memref<104x128xi32, #tpu.memory_space<vmem>>, vector<16xi32>,
      %get3A_81 = arith.index_cast %add3A_66 : i32 to index
      %get3A_82 = arith.constant 16 : index
      %get3A_83 = tpu.vector_load %arg5[%get3A_81, %get3A_82] {strides = array<i32>} : memref<104x128xi32, #tpu.memory_space<vmem>>, vector<16xi32>,
      %shift_right_arithmetic3A_84 = arith.constant 1 : i32
      %shift_right_arithmetic3A_85 = vector.broadcast %shift_right_arithmetic3A_84 : i32 to vector<16xi32>
      %shift_right_arithmetic3A_86 = arith.shrsi %get3A_83, %shift_right_arithmetic3A_85 : vector<16xi32>
      %swap3A_87 = arith.index_cast %add3A_66 : i32 to index
      %swap3A_88 = arith.constant 16 : index
      %swap3A_89 = tpu.vector_load %arg5[%swap3A_87, %swap3A_88] {strides = array<i32>} : memref<104x128xi32, #tpu.memory_space<vmem>>, vector<16xi32>,
      tpu.vector_store %arg5[%swap3A_87, %swap3A_88], %shift_right_arithmetic3A_86 {strides = array<i32>} : memref<104x128xi32, #tpu.memory_space<vmem>>, vector<16xi32>,
      %and3A_90 = arith.constant 1 : i32
      %and3A_91 = vector.broadcast %and3A_90 : i32 to vector<16xi32>
      %and3A_92 = arith.andi %get3A_83, %and3A_91 : vector<16xi32>
      %mul3A_93 = arith.constant 64 : i32
      %mul3A_94 = vector.broadcast %mul3A_93 : i32 to vector<16xi32>
      %mul3A_95 = arith.muli %and3A_92, %mul3A_94 : vector<16xi32>
      %swap3A_96 = arith.index_cast %add3A_66 : i32 to index
      %swap3A_97 = arith.constant 16 : index
      %swap3A_98 = tpu.vector_load %arg6[%swap3A_96, %swap3A_97] {strides = array<i32>} : memref<104x128xi32, #tpu.memory_space<vmem>>, vector<16xi32>,
      tpu.vector_store %arg6[%swap3A_96, %swap3A_97], %mul3A_95 {strides = array<i32>} : memref<104x128xi32, #tpu.memory_space<vmem>>, vector<16xi32>,
      %get3A_99 = arith.index_cast %add3A_66 : i32 to index
      %get3A_100 = arith.constant 32 : index
      %get3A_101 = tpu.vector_load %arg5[%get3A_99, %get3A_100] {strides = array<i32>} : memref<104x128xi32, #tpu.memory_space<vmem>>, vector<16xi32>,
      %shift_right_arithmetic3A_102 = arith.constant 1 : i32
      %shift_right_arithmetic3A_103 = vector.broadcast %shift_right_arithmetic3A_102 : i32 to vector<16xi32>
      %shift_right_arithmetic3A_104 = arith.shrsi %get3A_101, %shift_right_arithmetic3A_103 : vector<16xi32>
      %swap3A_105 = arith.index_cast %add3A_66 : i32 to index
      %swap3A_106 = arith.constant 32 : index
      %swap3A_107 = tpu.vector_load %arg5[%swap3A_105, %swap3A_106] {strides = array<i32>} : memref<104x128xi32, #tpu.memory_space<vmem>>, vector<16xi32>,
      tpu.vector_store %arg5[%swap3A_105, %swap3A_106], %shift_right_arithmetic3A_104 {strides = array<i32>} : memref<104x128xi32, #tpu.memory_space<vmem>>, vector<16xi32>,
      %and3A_108 = arith.constant 1 : i32
      %and3A_109 = vector.broadcast %and3A_108 : i32 to vector<16xi32>
      %and3A_110 = arith.andi %get3A_101, %and3A_109 : vector<16xi32>
      %mul3A_111 = arith.constant 64 : i32
      %mul3A_112 = vector.broadcast %mul3A_111 : i32 to vector<16xi32>
      %mul3A_113 = arith.muli %and3A_110, %mul3A_112 : vector<16xi32>
      %swap3A_114 = arith.index_cast %add3A_66 : i32 to index
      %swap3A_115 = arith.constant 32 : index
      %swap3A_116 = tpu.vector_load %arg6[%swap3A_114, %swap3A_115] {strides = array<i32>} : memref<104x128xi32, #tpu.memory_space<vmem>>, vector<16xi32>,
      tpu.vector_store %arg6[%swap3A_114, %swap3A_115], %mul3A_113 {strides = array<i32>} : memref<104x128xi32, #tpu.memory_space<vmem>>, vector<16xi32>,
      %get3A_117 = arith.index_cast %add3A_66 : i32 to index
      %get3A_118 = arith.constant 48 : index
      %get3A_119 = tpu.vector_load %arg5[%get3A_117, %get3A_118] {strides = array<i32>} : memref<104x128xi32, #tpu.memory_space<vmem>>, vector<16xi32>,
      %shift_right_arithmetic3A_120 = arith.constant 1 : i32
      %shift_right_arithmetic3A_121 = vector.broadcast %shift_right_arithmetic3A_120 : i32 to vector<16xi32>
      %shift_right_arithmetic3A_122 = arith.shrsi %get3A_119, %shift_right_arithmetic3A_121 : vector<16xi32>
      %swap3A_123 = arith.index_cast %add3A_66 : i32 to index
      %swap3A_124 = arith.constant 48 : index
      %swap3A_125 = tpu.vector_load %arg5[%swap3A_123, %swap3A_124] {strides = array<i32>} : memref<104x128xi32, #tpu.memory_space<vmem>>, vector<16xi32>,
      tpu.vector_store %arg5[%swap3A_123, %swap3A_124], %shift_right_arithmetic3A_122 {strides = array<i32>} : memref<104x128xi32, #tpu.memory_space<vmem>>, vector<16xi32>,
      %and3A_126 = arith.constant 1 : i32
      %and3A_127 = vector.broadcast %and3A_126 : i32 to vector<16xi32>
      %and3A_128 = arith.andi %get3A_119, %and3A_127 : vector<16xi32>
      %mul3A_129 = arith.constant 64 : i32
      %mul3A_130 = vector.broadcast %mul3A_129 : i32 to vector<16xi32>
      %mul3A_131 = arith.muli %and3A_128, %mul3A_130 : vector<16xi32>
      %swap3A_132 = arith.index_cast %add3A_66 : i32 to index
      %swap3A_133 = arith.constant 48 : index
      %swap3A_134 = tpu.vector_load %arg6[%swap3A_132, %swap3A_133] {strides = array<i32>} : memref<104x128xi32, #tpu.memory_space<vmem>>, vector<16xi32>,
      tpu.vector_store %arg6[%swap3A_132, %swap3A_133], %mul3A_131 {strides = array<i32>} : memref<104x128xi32, #tpu.memory_space<vmem>>, vector<16xi32>,
      %get3A_135 = arith.index_cast %add3A_66 : i32 to index
      %get3A_136 = arith.constant 64 : index
      %get3A_137 = tpu.vector_load %arg5[%get3A_135, %get3A_136] {strides = array<i32>} : memref<104x128xi32, #tpu.memory_space<vmem>>, vector<16xi32>,
      %shift_right_arithmetic3A_138 = arith.constant 1 : i32
      %shift_right_arithmetic3A_139 = vector.broadcast %shift_right_arithmetic3A_138 : i32 to vector<16xi32>
      %shift_right_arithmetic3A_140 = arith.shrsi %get3A_137, %shift_right_arithmetic3A_139 : vector<16xi32>
      %swap3A_141 = arith.index_cast %add3A_66 : i32 to index
      %swap3A_142 = arith.constant 64 : index
      %swap3A_143 = tpu.vector_load %arg5[%swap3A_141, %swap3A_142] {strides = array<i32>} : memref<104x128xi32, #tpu.memory_space<vmem>>, vector<16xi32>,
      tpu.vector_store %arg5[%swap3A_141, %swap3A_142], %shift_right_arithmetic3A_140 {strides = array<i32>} : memref<104x128xi32, #tpu.memory_space<vmem>>, vector<16xi32>,
      %and3A_144 = arith.constant 1 : i32
      %and3A_145 = vector.broadcast %and3A_144 : i32 to vector<16xi32>
      %and3A_146 = arith.andi %get3A_137, %and3A_145 : vector<16xi32>
      %mul3A_147 = arith.constant 64 : i32
      %mul3A_148 = vector.broadcast %mul3A_147 : i32 to vector<16xi32>
      %mul3A_149 = arith.muli %and3A_146, %mul3A_148 : vector<16xi32>
      %swap3A_150 = arith.index_cast %add3A_66 : i32 to index
      %swap3A_151 = arith.constant 64 : index
      %swap3A_152 = tpu.vector_load %arg6[%swap3A_150, %swap3A_151] {strides = array<i32>} : memref<104x128xi32, #tpu.memory_space<vmem>>, vector<16xi32>,
      tpu.vector_store %arg6[%swap3A_150, %swap3A_151], %mul3A_149 {strides = array<i32>} : memref<104x128xi32, #tpu.memory_space<vmem>>, vector<16xi32>,
      %get3A_153 = arith.index_cast %add3A_66 : i32 to index
      %get3A_154 = arith.constant 80 : index
      %get3A_155 = tpu.vector_load %arg5[%get3A_153, %get3A_154] {strides = array<i32>} : memref<104x128xi32, #tpu.memory_space<vmem>>, vector<16xi32>,
      %shift_right_arithmetic3A_156 = arith.constant 1 : i32
      %shift_right_arithmetic3A_157 = vector.broadcast %shift_right_arithmetic3A_156 : i32 to vector<16xi32>
      %shift_right_arithmetic3A_158 = arith.shrsi %get3A_155, %shift_right_arithmetic3A_157 : vector<16xi32>
      %swap3A_159 = arith.index_cast %add3A_66 : i32 to index
      %swap3A_160 = arith.constant 80 : index
      %swap3A_161 = tpu.vector_load %arg5[%swap3A_159, %swap3A_160] {strides = array<i32>} : memref<104x128xi32, #tpu.memory_space<vmem>>, vector<16xi32>,
      tpu.vector_store %arg5[%swap3A_159, %swap3A_160], %shift_right_arithmetic3A_158 {strides = array<i32>} : memref<104x128xi32, #tpu.memory_space<vmem>>, vector<16xi32>,
      %and3A_162 = arith.constant 1 : i32
      %and3A_163 = vector.broadcast %and3A_162 : i32 to vector<16xi32>
      %and3A_164 = arith.andi %get3A_155, %and3A_163 : vector<16xi32>
      %mul3A_165 = arith.constant 64 : i32
      %mul3A_166 = vector.broadcast %mul3A_165 : i32 to vector<16xi32>
      %mul3A_167 = arith.muli %and3A_164, %mul3A_166 : vector<16xi32>
      %swap3A_168 = arith.index_cast %add3A_66 : i32 to index
      %swap3A_169 = arith.constant 80 : index
      %swap3A_170 = tpu.vector_load %arg6[%swap3A_168, %swap3A_169] {strides = array<i32>} : memref<104x128xi32, #tpu.memory_space<vmem>>, vector<16xi32>,
      tpu.vector_store %arg6[%swap3A_168, %swap3A_169], %mul3A_167 {strides = array<i32>} : memref<104x128xi32, #tpu.memory_space<vmem>>, vector<16xi32>,
      %get3A_171 = arith.index_cast %add3A_66 : i32 to index
      %get3A_172 = arith.constant 96 : index
      %get3A_173 = tpu.vector_load %arg5[%get3A_171, %get3A_172] {strides = array<i32>} : memref<104x128xi32, #tpu.memory_space<vmem>>, vector<16xi32>,
      %shift_right_arithmetic3A_174 = arith.constant 1 : i32
      %shift_right_arithmetic3A_175 = vector.broadcast %shift_right_arithmetic3A_174 : i32 to vector<16xi32>
      %shift_right_arithmetic3A_176 = arith.shrsi %get3A_173, %shift_right_arithmetic3A_175 : vector<16xi32>
      %swap3A_177 = arith.index_cast %add3A_66 : i32 to index
      %swap3A_178 = arith.constant 96 : index
      %swap3A_179 = tpu.vector_load %arg5[%swap3A_177, %swap3A_178] {strides = array<i32>} : memref<104x128xi32, #tpu.memory_space<vmem>>, vector<16xi32>,
      tpu.vector_store %arg5[%swap3A_177, %swap3A_178], %shift_right_arithmetic3A_176 {strides = array<i32>} : memref<104x128xi32, #tpu.memory_space<vmem>>, vector<16xi32>,
      %and3A_180 = arith.constant 1 : i32
      %and3A_181 = vector.broadcast %and3A_180 : i32 to vector<16xi32>
      %and3A_182 = arith.andi %get3A_173, %and3A_181 : vector<16xi32>
      %mul3A_183 = arith.constant 64 : i32
      %mul3A_184 = vector.broadcast %mul3A_183 : i32 to vector<16xi32>
      %mul3A_185 = arith.muli %and3A_182, %mul3A_184 : vector<16xi32>
      %swap3A_186 = arith.index_cast %add3A_66 : i32 to index
      %swap3A_187 = arith.constant 96 : index
      %swap3A_188 = tpu.vector_load %arg6[%swap3A_186, %swap3A_187] {strides = array<i32>} : memref<104x128xi32, #tpu.memory_space<vmem>>, vector<16xi32>,
      tpu.vector_store %arg6[%swap3A_186, %swap3A_187], %mul3A_185 {strides = array<i32>} : memref<104x128xi32, #tpu.memory_space<vmem>>, vector<16xi32>,
      %get3A_189 = arith.index_cast %add3A_66 : i32 to index
      %get3A_190 = arith.constant 112 : index
      %get3A_191 = tpu.vector_load %arg5[%get3A_189, %get3A_190] {strides = array<i32>} : memref<104x128xi32, #tpu.memory_space<vmem>>, vector<16xi32>,
      %shift_right_arithmetic3A_192 = arith.constant 1 : i32
      %shift_right_arithmetic3A_193 = vector.broadcast %shift_right_arithmetic3A_192 : i32 to vector<16xi32>
      %shift_right_arithmetic3A_194 = arith.shrsi %get3A_191, %shift_right_arithmetic3A_193 : vector<16xi32>
      %swap3A_195 = arith.index_cast %add3A_66 : i32 to index
      %swap3A_196 = arith.constant 112 : index
      %swap3A_197 = tpu.vector_load %arg5[%swap3A_195, %swap3A_196] {strides = array<i32>} : memref<104x128xi32, #tpu.memory_space<vmem>>, vector<16xi32>,
      tpu.vector_store %arg5[%swap3A_195, %swap3A_196], %shift_right_arithmetic3A_194 {strides = array<i32>} : memref<104x128xi32, #tpu.memory_space<vmem>>, vector<16xi32>,
      %and3A_198 = arith.constant 1 : i32
      %and3A_199 = vector.broadcast %and3A_198 : i32 to vector<16xi32>
      %and3A_200 = arith.andi %get3A_191, %and3A_199 : vector<16xi32>
      %mul3A_201 = arith.constant 64 : i32
      %mul3A_202 = vector.broadcast %mul3A_201 : i32 to vector<16xi32>
      %mul3A_203 = arith.muli %and3A_200, %mul3A_202 : vector<16xi32>
      %swap3A_204 = arith.index_cast %add3A_66 : i32 to index
      %swap3A_205 = arith.constant 112 : index
      %swap3A_206 = tpu.vector_load %arg6[%swap3A_204, %swap3A_205] {strides = array<i32>} : memref<104x128xi32, #tpu.memory_space<vmem>>, vector<16xi32>,
      tpu.vector_store %arg6[%swap3A_204, %swap3A_205], %mul3A_203 {strides = array<i32>} : memref<104x128xi32, #tpu.memory_space<vmem>>, vector<16xi32>,
    }
    %scan3A_6 = arith.constant 104 : i32
    %dma_start3A = arith.constant 0 : i32
    %dma_start3A_7 = arith.constant 0 : i32
    %dma_start3A_8 = tpu.memref_slice %arg5[%dma_start3A, %dma_start3A_7] : memref<104x128xi32, #tpu.memory_space<vmem>> -> memref<1x128xi32, #tpu.memory_space<vmem>>
    %dma_start3A_9 = tpu.memref_squeeze %dma_start3A_8 : memref<1x128xi32, #tpu.memory_space<vmem>> -> memref<128xi32, #tpu.memory_space<vmem>>
    %dma_start3A_10 = arith.constant 0 : i32
    %dma_start3A_11 = arith.constant 0 : i32
    %dma_start3A_12 = tpu.memref_slice %arg2[%dma_start3A_10, %dma_start3A_11] : memref<500000x128xf32, #tpu.memory_space<hbm>> -> memref<500000x128xf32, #tpu.memory_space<hbm>>
    tpu.enqueue_indirect_dma source(%dma_start3A_12 : memref<500000x128xf32, #tpu.memory_space<hbm>>) target(%arg7 : memref<128x128xf32, #tpu.memory_space<vmem>>) offsets(%dma_start3A_9 : memref<128xi32, #tpu.memory_space<vmem>>) semaphore(%arg15 : memref<!tpu.dma_semaphore, #tpu.memory_space<semaphore_mem>>)
    %dma_start3A_13 = arith.constant 1 : i32
    %dma_start3A_14 = arith.constant 0 : i32
    %dma_start3A_15 = tpu.memref_slice %arg5[%dma_start3A_13, %dma_start3A_14] : memref<104x128xi32, #tpu.memory_space<vmem>> -> memref<1x128xi32, #tpu.memory_space<vmem>>
    %dma_start3A_16 = tpu.memref_squeeze %dma_start3A_15 : memref<1x128xi32, #tpu.memory_space<vmem>> -> memref<128xi32, #tpu.memory_space<vmem>>
    %dma_start3A_17 = arith.constant 0 : i32
    %dma_start3A_18 = arith.constant 0 : i32
    %dma_start3A_19 = tpu.memref_slice %arg2[%dma_start3A_17, %dma_start3A_18] : memref<500000x128xf32, #tpu.memory_space<hbm>> -> memref<500000x128xf32, #tpu.memory_space<hbm>>
    tpu.enqueue_indirect_dma source(%dma_start3A_19 : memref<500000x128xf32, #tpu.memory_space<hbm>>) target(%arg8 : memref<128x128xf32, #tpu.memory_space<vmem>>) offsets(%dma_start3A_16 : memref<128xi32, #tpu.memory_space<vmem>>) semaphore(%arg16 : memref<!tpu.dma_semaphore, #tpu.memory_space<semaphore_mem>>)
    %dma_start3A_20 = arith.constant 2 : i32
    %dma_start3A_21 = arith.constant 0 : i32
    %dma_start3A_22 = tpu.memref_slice %arg5[%dma_start3A_20, %dma_start3A_21] : memref<104x128xi32, #tpu.memory_space<vmem>> -> memref<1x128xi32, #tpu.memory_space<vmem>>
    %dma_start3A_23 = tpu.memref_squeeze %dma_start3A_22 : memref<1x128xi32, #tpu.memory_space<vmem>> -> memref<128xi32, #tpu.memory_space<vmem>>
    %dma_start3A_24 = arith.constant 0 : i32
    %dma_start3A_25 = arith.constant 0 : i32
    %dma_start3A_26 = tpu.memref_slice %arg2[%dma_start3A_24, %dma_start3A_25] : memref<500000x128xf32, #tpu.memory_space<hbm>> -> memref<500000x128xf32, #tpu.memory_space<hbm>>
    tpu.enqueue_indirect_dma source(%dma_start3A_26 : memref<500000x128xf32, #tpu.memory_space<hbm>>) target(%arg9 : memref<128x128xf32, #tpu.memory_space<vmem>>) offsets(%dma_start3A_23 : memref<128xi32, #tpu.memory_space<vmem>>) semaphore(%arg17 : memref<!tpu.dma_semaphore, #tpu.memory_space<semaphore_mem>>)
    %dma_start3A_27 = arith.constant 3 : i32
    %dma_start3A_28 = arith.constant 0 : i32
    %dma_start3A_29 = tpu.memref_slice %arg5[%dma_start3A_27, %dma_start3A_28] : memref<104x128xi32, #tpu.memory_space<vmem>> -> memref<1x128xi32, #tpu.memory_space<vmem>>
    %dma_start3A_30 = tpu.memref_squeeze %dma_start3A_29 : memref<1x128xi32, #tpu.memory_space<vmem>> -> memref<128xi32, #tpu.memory_space<vmem>>
    %dma_start3A_31 = arith.constant 0 : i32
    %dma_start3A_32 = arith.constant 0 : i32
    %dma_start3A_33 = tpu.memref_slice %arg2[%dma_start3A_31, %dma_start3A_32] : memref<500000x128xf32, #tpu.memory_space<hbm>> -> memref<500000x128xf32, #tpu.memory_space<hbm>>
    tpu.enqueue_indirect_dma source(%dma_start3A_33 : memref<500000x128xf32, #tpu.memory_space<hbm>>) target(%arg10 : memref<128x128xf32, #tpu.memory_space<vmem>>) offsets(%dma_start3A_30 : memref<128xi32, #tpu.memory_space<vmem>>) semaphore(%arg18 : memref<!tpu.dma_semaphore, #tpu.memory_space<semaphore_mem>>)
    %scan3A_34 = arith.constant 0 : i32
    %scan3A_35 = arith.constant 26 : i32
    %scan3A_36 = arith.addi %scan3A_34, %scan3A_35 : i32
    %scan3A_37 = arith.constant 1 : i32
    scf.for %scan3A_62 = %scan3A_34 to %scan3A_36 step %scan3A_37  : i32 {
      %mul3A_63 = arith.constant 1 : i32
      %mul3A_64 = arith.muli %scan3A_62, %mul3A_63 : i32
      %add3A_65 = arith.constant 0 : i32
      %add3A_66 = arith.addi %add3A_65, %mul3A_64 : i32
      %mul3A_67 = arith.constant 4 : i32
      %mul3A_68 = arith.muli %add3A_66, %mul3A_67 : i32
      %add3A_69 = arith.constant 0 : i32
      %add3A_70 = arith.addi %mul3A_68, %add3A_69 : i32
      %dma_wait3A_71 = arith.constant 0 : i32
      %dma_wait3A_72 = arith.constant 0 : i32
      %dma_wait3A_73 = tpu.memref_slice %arg2[%dma_wait3A_71, %dma_wait3A_72] : memref<500000x128xf32, #tpu.memory_space<hbm>> -> memref<128x128xf32, #tpu.memory_space<hbm>>
      %dma_wait3A_74 = arith.constant 0 : i32
      %dma_wait3A_75 = arith.constant 0 : i32
      %dma_wait3A_76 = tpu.memref_slice %arg2[%dma_wait3A_74, %dma_wait3A_75] : memref<500000x128xf32, #tpu.memory_space<hbm>> -> memref<128x128xf32, #tpu.memory_space<hbm>>
      tpu.wait_dma2 semaphore(%arg15 : memref<!tpu.dma_semaphore, #tpu.memory_space<semaphore_mem>>) src(%dma_wait3A_76 : memref<128x128xf32, #tpu.memory_space<hbm>>) dst(%arg7 : memref<128x128xf32, #tpu.memory_space<vmem>>)
      %ge3A = arith.constant 4 : i32
      %ge3A_77 = arith.cmpi sge, %add3A_70, %ge3A : i32
      %convert_element_type3A = arith.extui %ge3A_77 : i1 to i32
      %cond3A = arith.constant 0 : i32
      %cond3A_78 = arith.cmpi ne, %convert_element_type3A, %cond3A : i32
      scf.if %cond3A_78 {
        %dma_wait3A_199 = arith.constant 0 : i32
        %dma_wait3A_200 = arith.constant 0 : i32
        %dma_wait3A_201 = tpu.memref_slice %arg4[%dma_wait3A_199, %dma_wait3A_200] : memref<425984x64xf32, #tpu.memory_space<hbm>> -> memref<128x64xf32, #tpu.memory_space<hbm>>
        %dma_wait3A_202 = arith.constant 0 : i32
        %dma_wait3A_203 = arith.constant 0 : i32
        %dma_wait3A_204 = tpu.memref_slice %arg4[%dma_wait3A_202, %dma_wait3A_203] : memref<425984x64xf32, #tpu.memory_space<hbm>> -> memref<128x64xf32, #tpu.memory_space<hbm>>
        tpu.wait_dma2 semaphore(%arg19 : memref<!tpu.dma_semaphore, #tpu.memory_space<semaphore_mem>>) src(%dma_wait3A_204 : memref<128x64xf32, #tpu.memory_space<hbm>>) dst(%arg11 : memref<128x64xf32, #tpu.memory_space<vmem>>)
      } else {
      }
      %scan3A_79 = arith.constant 0 : i32
      %scan3A_80 = arith.constant 128 : i32
      %scan3A_81 = arith.addi %scan3A_79, %scan3A_80 : i32
      %scan3A_82 = arith.constant 1 : i32
      scf.for %scan3A_199 = %scan3A_79 to %scan3A_81 step %scan3A_82  : i32 {
        %mul3A_200 = arith.constant 1 : i32
        %mul3A_201 = arith.muli %scan3A_199, %mul3A_200 : i32
        %add3A_202 = arith.constant 0 : i32
        %add3A_203 = arith.addi %add3A_202, %mul3A_201 : i32
        %broadcast_in_dim3A = vector.broadcast %add3A_70 : i32 to vector<16xi32>
        %broadcast_in_dim3A_204 = vector.broadcast %add3A_203 : i32 to vector<16xi32>
        %gather3A = tpu.vector_load_idx %arg6[%broadcast_in_dim3A, %broadcast_in_dim3A_204] : memref<104x128xi32, #tpu.memory_space<vmem>>[vector<16xi32>, vector<16xi32>], vector<16xi32>,
        %broadcast_in_dim3A_205 = vector.broadcast %add3A_203 : i32 to vector<16xi32>
        %add3A_206 = arith.constant 0 : i32
        %add3A_207 = vector.broadcast %add3A_206 : i32 to vector<16xi32>
        %add3A_208 = arith.addi %iota3A, %add3A_207 : vector<16xi32>
        %add3A_209 = arith.addi %gather3A, %add3A_208 : vector<16xi32>
        %gather3A_210 = tpu.vector_load_idx %arg7[%broadcast_in_dim3A_205, %add3A_209] : memref<128x128xf32, #tpu.memory_space<vmem>>[vector<16xi32>, vector<16xi32>], vector<16xf32>,
        %swap3A = arith.index_cast %add3A_203 : i32 to index
        %swap3A_211 = arith.constant 0 : index
        %swap3A_212 = tpu.vector_load %arg11[%swap3A, %swap3A_211] {strides = array<i32>} : memref<128x64xf32, #tpu.memory_space<vmem>>, vector<16xf32>,
        tpu.vector_store %arg11[%swap3A, %swap3A_211], %gather3A_210 {strides = array<i32>} : memref<128x64xf32, #tpu.memory_space<vmem>>, vector<16xf32>,
        %broadcast_in_dim3A_213 = vector.broadcast %add3A_203 : i32 to vector<16xi32>
        %add3A_214 = arith.constant 16 : i32
        %add3A_215 = vector.broadcast %add3A_214 : i32 to vector<16xi32>
        %add3A_216 = arith.addi %iota3A, %add3A_215 : vector<16xi32>
        %add3A_217 = arith.addi %gather3A, %add3A_216 : vector<16xi32>
        %gather3A_218 = tpu.vector_load_idx %arg7[%broadcast_in_dim3A_213, %add3A_217] : memref<128x128xf32, #tpu.memory_space<vmem>>[vector<16xi32>, vector<16xi32>], vector<16xf32>,
        %swap3A_219 = arith.index_cast %add3A_203 : i32 to index
        %swap3A_220 = arith.constant 16 : index
        %swap3A_221 = tpu.vector_load %arg11[%swap3A_219, %swap3A_220] {strides = array<i32>} : memref<128x64xf32, #tpu.memory_space<vmem>>, vector<16xf32>,
        tpu.vector_store %arg11[%swap3A_219, %swap3A_220], %gather3A_218 {strides = array<i32>} : memref<128x64xf32, #tpu.memory_space<vmem>>, vector<16xf32>,
        %broadcast_in_dim3A_222 = vector.broadcast %add3A_203 : i32 to vector<16xi32>
        %add3A_223 = arith.constant 32 : i32
        %add3A_224 = vector.broadcast %add3A_223 : i32 to vector<16xi32>
        %add3A_225 = arith.addi %iota3A, %add3A_224 : vector<16xi32>
        %add3A_226 = arith.addi %gather3A, %add3A_225 : vector<16xi32>
        %gather3A_227 = tpu.vector_load_idx %arg7[%broadcast_in_dim3A_222, %add3A_226] : memref<128x128xf32, #tpu.memory_space<vmem>>[vector<16xi32>, vector<16xi32>], vector<16xf32>,
        %swap3A_228 = arith.index_cast %add3A_203 : i32 to index
        %swap3A_229 = arith.constant 32 : index
        %swap3A_230 = tpu.vector_load %arg11[%swap3A_228, %swap3A_229] {strides = array<i32>} : memref<128x64xf32, #tpu.memory_space<vmem>>, vector<16xf32>,
        tpu.vector_store %arg11[%swap3A_228, %swap3A_229], %gather3A_227 {strides = array<i32>} : memref<128x64xf32, #tpu.memory_space<vmem>>, vector<16xf32>,
        %broadcast_in_dim3A_231 = vector.broadcast %add3A_203 : i32 to vector<16xi32>
        %add3A_232 = arith.constant 48 : i32
        %add3A_233 = vector.broadcast %add3A_232 : i32 to vector<16xi32>
        %add3A_234 = arith.addi %iota3A, %add3A_233 : vector<16xi32>
        %add3A_235 = arith.addi %gather3A, %add3A_234 : vector<16xi32>
        %gather3A_236 = tpu.vector_load_idx %arg7[%broadcast_in_dim3A_231, %add3A_235] : memref<128x128xf32, #tpu.memory_space<vmem>>[vector<16xi32>, vector<16xi32>], vector<16xf32>,
        %swap3A_237 = arith.index_cast %add3A_203 : i32 to index
        %swap3A_238 = arith.constant 48 : index
        %swap3A_239 = tpu.vector_load %arg11[%swap3A_237, %swap3A_238] {strides = array<i32>} : memref<128x64xf32, #tpu.memory_space<vmem>>, vector<16xf32>,
        tpu.vector_store %arg11[%swap3A_237, %swap3A_238], %gather3A_236 {strides = array<i32>} : memref<128x64xf32, #tpu.memory_space<vmem>>, vector<16xf32>,
      }
      %scan3A_83 = arith.constant 128 : i32
      %mul3A_84 = arith.constant 128 : i32
      %mul3A_85 = arith.muli %add3A_70, %mul3A_84 : i32
      %add3A_86 = arith.addi %mul3A_2, %mul3A_85 : i32
      %dma_start3A_87 = arith.constant 0 : i32
      %dma_start3A_88 = tpu.memref_slice %arg4[%add3A_86, %dma_start3A_87] : memref<425984x64xf32, #tpu.memory_space<hbm>> -> memref<128x64xf32, #tpu.memory_space<hbm>>
      %dma_start3A_89 = arith.constant 0 : i32
      %dma_start3A_90 = tpu.memref_slice %arg4[%add3A_86, %dma_start3A_89] : memref<425984x64xf32, #tpu.memory_space<hbm>> -> memref<128x64xf32, #tpu.memory_space<hbm>>
      tpu.enqueue_dma source(%arg11 : memref<128x64xf32, #tpu.memory_space<vmem>>) target(%dma_start3A_90 : memref<128x64xf32, #tpu.memory_space<hbm>>) target_semaphore(%arg19 : memref<!tpu.dma_semaphore, #tpu.memory_space<semaphore_mem>>)
      %add3A_91 = arith.constant 4 : i32
      %add3A_92 = arith.addi %add3A_70, %add3A_91 : i32
      %lt3A = arith.constant 104 : i32
      %lt3A_93 = arith.cmpi slt, %add3A_92, %lt3A : i32
      %convert_element_type3A_94 = arith.extui %lt3A_93 : i1 to i32
      %cond3A_95 = arith.constant 0 : i32
      %cond3A_96 = arith.cmpi ne, %convert_element_type3A_94, %cond3A_95 : i32
      scf.if %cond3A_96 {
        %dma_start3A_199 = arith.constant 0 : i32
        %dma_start3A_200 = tpu.memref_slice %arg5[%add3A_92, %dma_start3A_199] : memref<104x128xi32, #tpu.memory_space<vmem>> -> memref<1x128xi32, #tpu.memory_space<vmem>>
        %dma_start3A_201 = tpu.memref_squeeze %dma_start3A_200 : memref<1x128xi32, #tpu.memory_space<vmem>> -> memref<128xi32, #tpu.memory_space<vmem>>
        %dma_start3A_202 = arith.constant 0 : i32
        %dma_start3A_203 = arith.constant 0 : i32
        %dma_start3A_204 = tpu.memref_slice %arg2[%dma_start3A_202, %dma_start3A_203] : memref<500000x128xf32, #tpu.memory_space<hbm>> -> memref<500000x128xf32, #tpu.memory_space<hbm>>
        tpu.enqueue_indirect_dma source(%dma_start3A_204 : memref<500000x128xf32, #tpu.memory_space<hbm>>) target(%arg7 : memref<128x128xf32, #tpu.memory_space<vmem>>) offsets(%dma_start3A_201 : memref<128xi32, #tpu.memory_space<vmem>>) semaphore(%arg15 : memref<!tpu.dma_semaphore, #tpu.memory_space<semaphore_mem>>)
      } else {
      }
      %mul3A_97 = arith.constant 4 : i32
      %mul3A_98 = arith.muli %add3A_66, %mul3A_97 : i32
      %add3A_99 = arith.constant 1 : i32
      %add3A_100 = arith.addi %mul3A_98, %add3A_99 : i32
      %dma_wait3A_101 = arith.constant 0 : i32
      %dma_wait3A_102 = arith.constant 0 : i32
      %dma_wait3A_103 = tpu.memref_slice %arg2[%dma_wait3A_101, %dma_wait3A_102] : memref<500000x128xf32, #tpu.memory_space<hbm>> -> memref<128x128xf32, #tpu.memory_space<hbm>>
      %dma_wait3A_104 = arith.constant 0 : i32
      %dma_wait3A_105 = arith.constant 0 : i32
      %dma_wait3A_106 = tpu.memref_slice %arg2[%dma_wait3A_104, %dma_wait3A_105] : memref<500000x128xf32, #tpu.memory_space<hbm>> -> memref<128x128xf32, #tpu.memory_space<hbm>>
      tpu.wait_dma2 semaphore(%arg16 : memref<!tpu.dma_semaphore, #tpu.memory_space<semaphore_mem>>) src(%dma_wait3A_106 : memref<128x128xf32, #tpu.memory_space<hbm>>) dst(%arg8 : memref<128x128xf32, #tpu.memory_space<vmem>>)
      %ge3A_107 = arith.constant 4 : i32
      %ge3A_108 = arith.cmpi sge, %add3A_100, %ge3A_107 : i32
      %convert_element_type3A_109 = arith.extui %ge3A_108 : i1 to i32
      %cond3A_110 = arith.constant 0 : i32
      %cond3A_111 = arith.cmpi ne, %convert_element_type3A_109, %cond3A_110 : i32
      scf.if %cond3A_111 {
        %dma_wait3A_199 = arith.constant 0 : i32
        %dma_wait3A_200 = arith.constant 0 : i32
        %dma_wait3A_201 = tpu.memref_slice %arg4[%dma_wait3A_199, %dma_wait3A_200] : memref<425984x64xf32, #tpu.memory_space<hbm>> -> memref<128x64xf32, #tpu.memory_space<hbm>>
        %dma_wait3A_202 = arith.constant 0 : i32
        %dma_wait3A_203 = arith.constant 0 : i32
        %dma_wait3A_204 = tpu.memref_slice %arg4[%dma_wait3A_202, %dma_wait3A_203] : memref<425984x64xf32, #tpu.memory_space<hbm>> -> memref<128x64xf32, #tpu.memory_space<hbm>>
        tpu.wait_dma2 semaphore(%arg20 : memref<!tpu.dma_semaphore, #tpu.memory_space<semaphore_mem>>) src(%dma_wait3A_204 : memref<128x64xf32, #tpu.memory_space<hbm>>) dst(%arg12 : memref<128x64xf32, #tpu.memory_space<vmem>>)
      } else {
      }
      %scan3A_112 = arith.constant 0 : i32
      %scan3A_113 = arith.constant 128 : i32
      %scan3A_114 = arith.addi %scan3A_112, %scan3A_113 : i32
      %scan3A_115 = arith.constant 1 : i32
      scf.for %scan3A_199 = %scan3A_112 to %scan3A_114 step %scan3A_115  : i32 {
        %mul3A_200 = arith.constant 1 : i32
        %mul3A_201 = arith.muli %scan3A_199, %mul3A_200 : i32
        %add3A_202 = arith.constant 0 : i32
        %add3A_203 = arith.addi %add3A_202, %mul3A_201 : i32
        %broadcast_in_dim3A = vector.broadcast %add3A_100 : i32 to vector<16xi32>
        %broadcast_in_dim3A_204 = vector.broadcast %add3A_203 : i32 to vector<16xi32>
        %gather3A = tpu.vector_load_idx %arg6[%broadcast_in_dim3A, %broadcast_in_dim3A_204] : memref<104x128xi32, #tpu.memory_space<vmem>>[vector<16xi32>, vector<16xi32>], vector<16xi32>,
        %broadcast_in_dim3A_205 = vector.broadcast %add3A_203 : i32 to vector<16xi32>
        %add3A_206 = arith.constant 0 : i32
        %add3A_207 = vector.broadcast %add3A_206 : i32 to vector<16xi32>
        %add3A_208 = arith.addi %iota3A, %add3A_207 : vector<16xi32>
        %add3A_209 = arith.addi %gather3A, %add3A_208 : vector<16xi32>
        %gather3A_210 = tpu.vector_load_idx %arg8[%broadcast_in_dim3A_205, %add3A_209] : memref<128x128xf32, #tpu.memory_space<vmem>>[vector<16xi32>, vector<16xi32>], vector<16xf32>,
        %swap3A = arith.index_cast %add3A_203 : i32 to index
        %swap3A_211 = arith.constant 0 : index
        %swap3A_212 = tpu.vector_load %arg12[%swap3A, %swap3A_211] {strides = array<i32>} : memref<128x64xf32, #tpu.memory_space<vmem>>, vector<16xf32>,
        tpu.vector_store %arg12[%swap3A, %swap3A_211], %gather3A_210 {strides = array<i32>} : memref<128x64xf32, #tpu.memory_space<vmem>>, vector<16xf32>,
        %broadcast_in_dim3A_213 = vector.broadcast %add3A_203 : i32 to vector<16xi32>
        %add3A_214 = arith.constant 16 : i32
        %add3A_215 = vector.broadcast %add3A_214 : i32 to vector<16xi32>
        %add3A_216 = arith.addi %iota3A, %add3A_215 : vector<16xi32>
        %add3A_217 = arith.addi %gather3A, %add3A_216 : vector<16xi32>
        %gather3A_218 = tpu.vector_load_idx %arg8[%broadcast_in_dim3A_213, %add3A_217] : memref<128x128xf32, #tpu.memory_space<vmem>>[vector<16xi32>, vector<16xi32>], vector<16xf32>,
        %swap3A_219 = arith.index_cast %add3A_203 : i32 to index
        %swap3A_220 = arith.constant 16 : index
        %swap3A_221 = tpu.vector_load %arg12[%swap3A_219, %swap3A_220] {strides = array<i32>} : memref<128x64xf32, #tpu.memory_space<vmem>>, vector<16xf32>,
        tpu.vector_store %arg12[%swap3A_219, %swap3A_220], %gather3A_218 {strides = array<i32>} : memref<128x64xf32, #tpu.memory_space<vmem>>, vector<16xf32>,
        %broadcast_in_dim3A_222 = vector.broadcast %add3A_203 : i32 to vector<16xi32>
        %add3A_223 = arith.constant 32 : i32
        %add3A_224 = vector.broadcast %add3A_223 : i32 to vector<16xi32>
        %add3A_225 = arith.addi %iota3A, %add3A_224 : vector<16xi32>
        %add3A_226 = arith.addi %gather3A, %add3A_225 : vector<16xi32>
        %gather3A_227 = tpu.vector_load_idx %arg8[%broadcast_in_dim3A_222, %add3A_226] : memref<128x128xf32, #tpu.memory_space<vmem>>[vector<16xi32>, vector<16xi32>], vector<16xf32>,
        %swap3A_228 = arith.index_cast %add3A_203 : i32 to index
        %swap3A_229 = arith.constant 32 : index
        %swap3A_230 = tpu.vector_load %arg12[%swap3A_228, %swap3A_229] {strides = array<i32>} : memref<128x64xf32, #tpu.memory_space<vmem>>, vector<16xf32>,
        tpu.vector_store %arg12[%swap3A_228, %swap3A_229], %gather3A_227 {strides = array<i32>} : memref<128x64xf32, #tpu.memory_space<vmem>>, vector<16xf32>,
        %broadcast_in_dim3A_231 = vector.broadcast %add3A_203 : i32 to vector<16xi32>
        %add3A_232 = arith.constant 48 : i32
        %add3A_233 = vector.broadcast %add3A_232 : i32 to vector<16xi32>
        %add3A_234 = arith.addi %iota3A, %add3A_233 : vector<16xi32>
        %add3A_235 = arith.addi %gather3A, %add3A_234 : vector<16xi32>
        %gather3A_236 = tpu.vector_load_idx %arg8[%broadcast_in_dim3A_231, %add3A_235] : memref<128x128xf32, #tpu.memory_space<vmem>>[vector<16xi32>, vector<16xi32>], vector<16xf32>,
        %swap3A_237 = arith.index_cast %add3A_203 : i32 to index
        %swap3A_238 = arith.constant 48 : index
        %swap3A_239 = tpu.vector_load %arg12[%swap3A_237, %swap3A_238] {strides = array<i32>} : memref<128x64xf32, #tpu.memory_space<vmem>>, vector<16xf32>,
        tpu.vector_store %arg12[%swap3A_237, %swap3A_238], %gather3A_236 {strides = array<i32>} : memref<128x64xf32, #tpu.memory_space<vmem>>, vector<16xf32>,
      }
      %scan3A_116 = arith.constant 128 : i32
      %mul3A_117 = arith.constant 128 : i32
      %mul3A_118 = arith.muli %add3A_100, %mul3A_117 : i32
      %add3A_119 = arith.addi %mul3A_2, %mul3A_118 : i32
      %dma_start3A_120 = arith.constant 0 : i32
      %dma_start3A_121 = tpu.memref_slice %arg4[%add3A_119, %dma_start3A_120] : memref<425984x64xf32, #tpu.memory_space<hbm>> -> memref<128x64xf32, #tpu.memory_space<hbm>>
      %dma_start3A_122 = arith.constant 0 : i32
      %dma_start3A_123 = tpu.memref_slice %arg4[%add3A_119, %dma_start3A_122] : memref<425984x64xf32, #tpu.memory_space<hbm>> -> memref<128x64xf32, #tpu.memory_space<hbm>>
      tpu.enqueue_dma source(%arg12 : memref<128x64xf32, #tpu.memory_space<vmem>>) target(%dma_start3A_123 : memref<128x64xf32, #tpu.memory_space<hbm>>) target_semaphore(%arg20 : memref<!tpu.dma_semaphore, #tpu.memory_space<semaphore_mem>>)
      %add3A_124 = arith.constant 4 : i32
      %add3A_125 = arith.addi %add3A_100, %add3A_124 : i32
      %lt3A_126 = arith.constant 104 : i32
      %lt3A_127 = arith.cmpi slt, %add3A_125, %lt3A_126 : i32
      %convert_element_type3A_128 = arith.extui %lt3A_127 : i1 to i32
      %cond3A_129 = arith.constant 0 : i32
      %cond3A_130 = arith.cmpi ne, %convert_element_type3A_128, %cond3A_129 : i32
      scf.if %cond3A_130 {
        %dma_start3A_199 = arith.constant 0 : i32
        %dma_start3A_200 = tpu.memref_slice %arg5[%add3A_125, %dma_start3A_199] : memref<104x128xi32, #tpu.memory_space<vmem>> -> memref<1x128xi32, #tpu.memory_space<vmem>>
        %dma_start3A_201 = tpu.memref_squeeze %dma_start3A_200 : memref<1x128xi32, #tpu.memory_space<vmem>> -> memref<128xi32, #tpu.memory_space<vmem>>
        %dma_start3A_202 = arith.constant 0 : i32
        %dma_start3A_203 = arith.constant 0 : i32
        %dma_start3A_204 = tpu.memref_slice %arg2[%dma_start3A_202, %dma_start3A_203] : memref<500000x128xf32, #tpu.memory_space<hbm>> -> memref<500000x128xf32, #tpu.memory_space<hbm>>
        tpu.enqueue_indirect_dma source(%dma_start3A_204 : memref<500000x128xf32, #tpu.memory_space<hbm>>) target(%arg8 : memref<128x128xf32, #tpu.memory_space<vmem>>) offsets(%dma_start3A_201 : memref<128xi32, #tpu.memory_space<vmem>>) semaphore(%arg16 : memref<!tpu.dma_semaphore, #tpu.memory_space<semaphore_mem>>)
      } else {
      }
      %mul3A_131 = arith.constant 4 : i32
      %mul3A_132 = arith.muli %add3A_66, %mul3A_131 : i32
      %add3A_133 = arith.constant 2 : i32
      %add3A_134 = arith.addi %mul3A_132, %add3A_133 : i32
      %dma_wait3A_135 = arith.constant 0 : i32
      %dma_wait3A_136 = arith.constant 0 : i32
      %dma_wait3A_137 = tpu.memref_slice %arg2[%dma_wait3A_135, %dma_wait3A_136] : memref<500000x128xf32, #tpu.memory_space<hbm>> -> memref<128x128xf32, #tpu.memory_space<hbm>>
      %dma_wait3A_138 = arith.constant 0 : i32
      %dma_wait3A_139 = arith.constant 0 : i32
      %dma_wait3A_140 = tpu.memref_slice %arg2[%dma_wait3A_138, %dma_wait3A_139] : memref<500000x128xf32, #tpu.memory_space<hbm>> -> memref<128x128xf32, #tpu.memory_space<hbm>>
      tpu.wait_dma2 semaphore(%arg17 : memref<!tpu.dma_semaphore, #tpu.memory_space<semaphore_mem>>) src(%dma_wait3A_140 : memref<128x128xf32, #tpu.memory_space<hbm>>) dst(%arg9 : memref<128x128xf32, #tpu.memory_space<vmem>>)
      %ge3A_141 = arith.constant 4 : i32
      %ge3A_142 = arith.cmpi sge, %add3A_134, %ge3A_141 : i32
      %convert_element_type3A_143 = arith.extui %ge3A_142 : i1 to i32
      %cond3A_144 = arith.constant 0 : i32
      %cond3A_145 = arith.cmpi ne, %convert_element_type3A_143, %cond3A_144 : i32
      scf.if %cond3A_145 {
        %dma_wait3A_199 = arith.constant 0 : i32
        %dma_wait3A_200 = arith.constant 0 : i32
        %dma_wait3A_201 = tpu.memref_slice %arg4[%dma_wait3A_199, %dma_wait3A_200] : memref<425984x64xf32, #tpu.memory_space<hbm>> -> memref<128x64xf32, #tpu.memory_space<hbm>>
        %dma_wait3A_202 = arith.constant 0 : i32
        %dma_wait3A_203 = arith.constant 0 : i32
        %dma_wait3A_204 = tpu.memref_slice %arg4[%dma_wait3A_202, %dma_wait3A_203] : memref<425984x64xf32, #tpu.memory_space<hbm>> -> memref<128x64xf32, #tpu.memory_space<hbm>>
        tpu.wait_dma2 semaphore(%arg21 : memref<!tpu.dma_semaphore, #tpu.memory_space<semaphore_mem>>) src(%dma_wait3A_204 : memref<128x64xf32, #tpu.memory_space<hbm>>) dst(%arg13 : memref<128x64xf32, #tpu.memory_space<vmem>>)
      } else {
      }
      %scan3A_146 = arith.constant 0 : i32
      %scan3A_147 = arith.constant 128 : i32
      %scan3A_148 = arith.addi %scan3A_146, %scan3A_147 : i32
      %scan3A_149 = arith.constant 1 : i32
      scf.for %scan3A_199 = %scan3A_146 to %scan3A_148 step %scan3A_149  : i32 {
        %mul3A_200 = arith.constant 1 : i32
        %mul3A_201 = arith.muli %scan3A_199, %mul3A_200 : i32
        %add3A_202 = arith.constant 0 : i32
        %add3A_203 = arith.addi %add3A_202, %mul3A_201 : i32
        %broadcast_in_dim3A = vector.broadcast %add3A_134 : i32 to vector<16xi32>
        %broadcast_in_dim3A_204 = vector.broadcast %add3A_203 : i32 to vector<16xi32>
        %gather3A = tpu.vector_load_idx %arg6[%broadcast_in_dim3A, %broadcast_in_dim3A_204] : memref<104x128xi32, #tpu.memory_space<vmem>>[vector<16xi32>, vector<16xi32>], vector<16xi32>,
        %broadcast_in_dim3A_205 = vector.broadcast %add3A_203 : i32 to vector<16xi32>
        %add3A_206 = arith.constant 0 : i32
        %add3A_207 = vector.broadcast %add3A_206 : i32 to vector<16xi32>
        %add3A_208 = arith.addi %iota3A, %add3A_207 : vector<16xi32>
        %add3A_209 = arith.addi %gather3A, %add3A_208 : vector<16xi32>
        %gather3A_210 = tpu.vector_load_idx %arg9[%broadcast_in_dim3A_205, %add3A_209] : memref<128x128xf32, #tpu.memory_space<vmem>>[vector<16xi32>, vector<16xi32>], vector<16xf32>,
        %swap3A = arith.index_cast %add3A_203 : i32 to index
        %swap3A_211 = arith.constant 0 : index
        %swap3A_212 = tpu.vector_load %arg13[%swap3A, %swap3A_211] {strides = array<i32>} : memref<128x64xf32, #tpu.memory_space<vmem>>, vector<16xf32>,
        tpu.vector_store %arg13[%swap3A, %swap3A_211], %gather3A_210 {strides = array<i32>} : memref<128x64xf32, #tpu.memory_space<vmem>>, vector<16xf32>,
        %broadcast_in_dim3A_213 = vector.broadcast %add3A_203 : i32 to vector<16xi32>
        %add3A_214 = arith.constant 16 : i32
        %add3A_215 = vector.broadcast %add3A_214 : i32 to vector<16xi32>
        %add3A_216 = arith.addi %iota3A, %add3A_215 : vector<16xi32>
        %add3A_217 = arith.addi %gather3A, %add3A_216 : vector<16xi32>
        %gather3A_218 = tpu.vector_load_idx %arg9[%broadcast_in_dim3A_213, %add3A_217] : memref<128x128xf32, #tpu.memory_space<vmem>>[vector<16xi32>, vector<16xi32>], vector<16xf32>,
        %swap3A_219 = arith.index_cast %add3A_203 : i32 to index
        %swap3A_220 = arith.constant 16 : index
        %swap3A_221 = tpu.vector_load %arg13[%swap3A_219, %swap3A_220] {strides = array<i32>} : memref<128x64xf32, #tpu.memory_space<vmem>>, vector<16xf32>,
        tpu.vector_store %arg13[%swap3A_219, %swap3A_220], %gather3A_218 {strides = array<i32>} : memref<128x64xf32, #tpu.memory_space<vmem>>, vector<16xf32>,
        %broadcast_in_dim3A_222 = vector.broadcast %add3A_203 : i32 to vector<16xi32>
        %add3A_223 = arith.constant 32 : i32
        %add3A_224 = vector.broadcast %add3A_223 : i32 to vector<16xi32>
        %add3A_225 = arith.addi %iota3A, %add3A_224 : vector<16xi32>
        %add3A_226 = arith.addi %gather3A, %add3A_225 : vector<16xi32>
        %gather3A_227 = tpu.vector_load_idx %arg9[%broadcast_in_dim3A_222, %add3A_226] : memref<128x128xf32, #tpu.memory_space<vmem>>[vector<16xi32>, vector<16xi32>], vector<16xf32>,
        %swap3A_228 = arith.index_cast %add3A_203 : i32 to index
        %swap3A_229 = arith.constant 32 : index
        %swap3A_230 = tpu.vector_load %arg13[%swap3A_228, %swap3A_229] {strides = array<i32>} : memref<128x64xf32, #tpu.memory_space<vmem>>, vector<16xf32>,
        tpu.vector_store %arg13[%swap3A_228, %swap3A_229], %gather3A_227 {strides = array<i32>} : memref<128x64xf32, #tpu.memory_space<vmem>>, vector<16xf32>,
        %broadcast_in_dim3A_231 = vector.broadcast %add3A_203 : i32 to vector<16xi32>
        %add3A_232 = arith.constant 48 : i32
        %add3A_233 = vector.broadcast %add3A_232 : i32 to vector<16xi32>
        %add3A_234 = arith.addi %iota3A, %add3A_233 : vector<16xi32>
        %add3A_235 = arith.addi %gather3A, %add3A_234 : vector<16xi32>
        %gather3A_236 = tpu.vector_load_idx %arg9[%broadcast_in_dim3A_231, %add3A_235] : memref<128x128xf32, #tpu.memory_space<vmem>>[vector<16xi32>, vector<16xi32>], vector<16xf32>,
        %swap3A_237 = arith.index_cast %add3A_203 : i32 to index
        %swap3A_238 = arith.constant 48 : index
        %swap3A_239 = tpu.vector_load %arg13[%swap3A_237, %swap3A_238] {strides = array<i32>} : memref<128x64xf32, #tpu.memory_space<vmem>>, vector<16xf32>,
        tpu.vector_store %arg13[%swap3A_237, %swap3A_238], %gather3A_236 {strides = array<i32>} : memref<128x64xf32, #tpu.memory_space<vmem>>, vector<16xf32>,
      }
      %scan3A_150 = arith.constant 128 : i32
      %mul3A_151 = arith.constant 128 : i32
      %mul3A_152 = arith.muli %add3A_134, %mul3A_151 : i32
      %add3A_153 = arith.addi %mul3A_2, %mul3A_152 : i32
      %dma_start3A_154 = arith.constant 0 : i32
      %dma_start3A_155 = tpu.memref_slice %arg4[%add3A_153, %dma_start3A_154] : memref<425984x64xf32, #tpu.memory_space<hbm>> -> memref<128x64xf32, #tpu.memory_space<hbm>>
      %dma_start3A_156 = arith.constant 0 : i32
      %dma_start3A_157 = tpu.memref_slice %arg4[%add3A_153, %dma_start3A_156] : memref<425984x64xf32, #tpu.memory_space<hbm>> -> memref<128x64xf32, #tpu.memory_space<hbm>>
      tpu.enqueue_dma source(%arg13 : memref<128x64xf32, #tpu.memory_space<vmem>>) target(%dma_start3A_157 : memref<128x64xf32, #tpu.memory_space<hbm>>) target_semaphore(%arg21 : memref<!tpu.dma_semaphore, #tpu.memory_space<semaphore_mem>>)
      %add3A_158 = arith.constant 4 : i32
      %add3A_159 = arith.addi %add3A_134, %add3A_158 : i32
      %lt3A_160 = arith.constant 104 : i32
      %lt3A_161 = arith.cmpi slt, %add3A_159, %lt3A_160 : i32
      %convert_element_type3A_162 = arith.extui %lt3A_161 : i1 to i32
      %cond3A_163 = arith.constant 0 : i32
      %cond3A_164 = arith.cmpi ne, %convert_element_type3A_162, %cond3A_163 : i32
      scf.if %cond3A_164 {
        %dma_start3A_199 = arith.constant 0 : i32
        %dma_start3A_200 = tpu.memref_slice %arg5[%add3A_159, %dma_start3A_199] : memref<104x128xi32, #tpu.memory_space<vmem>> -> memref<1x128xi32, #tpu.memory_space<vmem>>
        %dma_start3A_201 = tpu.memref_squeeze %dma_start3A_200 : memref<1x128xi32, #tpu.memory_space<vmem>> -> memref<128xi32, #tpu.memory_space<vmem>>
        %dma_start3A_202 = arith.constant 0 : i32
        %dma_start3A_203 = arith.constant 0 : i32
        %dma_start3A_204 = tpu.memref_slice %arg2[%dma_start3A_202, %dma_start3A_203] : memref<500000x128xf32, #tpu.memory_space<hbm>> -> memref<500000x128xf32, #tpu.memory_space<hbm>>
        tpu.enqueue_indirect_dma source(%dma_start3A_204 : memref<500000x128xf32, #tpu.memory_space<hbm>>) target(%arg9 : memref<128x128xf32, #tpu.memory_space<vmem>>) offsets(%dma_start3A_201 : memref<128xi32, #tpu.memory_space<vmem>>) semaphore(%arg17 : memref<!tpu.dma_semaphore, #tpu.memory_space<semaphore_mem>>)
      } else {
      }
      %mul3A_165 = arith.constant 4 : i32
      %mul3A_166 = arith.muli %add3A_66, %mul3A_165 : i32
      %add3A_167 = arith.constant 3 : i32
      %add3A_168 = arith.addi %mul3A_166, %add3A_167 : i32
      %dma_wait3A_169 = arith.constant 0 : i32
      %dma_wait3A_170 = arith.constant 0 : i32
      %dma_wait3A_171 = tpu.memref_slice %arg2[%dma_wait3A_169, %dma_wait3A_170] : memref<500000x128xf32, #tpu.memory_space<hbm>> -> memref<128x128xf32, #tpu.memory_space<hbm>>
      %dma_wait3A_172 = arith.constant 0 : i32
      %dma_wait3A_173 = arith.constant 0 : i32
      %dma_wait3A_174 = tpu.memref_slice %arg2[%dma_wait3A_172, %dma_wait3A_173] : memref<500000x128xf32, #tpu.memory_space<hbm>> -> memref<128x128xf32, #tpu.memory_space<hbm>>
      tpu.wait_dma2 semaphore(%arg18 : memref<!tpu.dma_semaphore, #tpu.memory_space<semaphore_mem>>) src(%dma_wait3A_174 : memref<128x128xf32, #tpu.memory_space<hbm>>) dst(%arg10 : memref<128x128xf32, #tpu.memory_space<vmem>>)
      %ge3A_175 = arith.constant 4 : i32
      %ge3A_176 = arith.cmpi sge, %add3A_168, %ge3A_175 : i32
      %convert_element_type3A_177 = arith.extui %ge3A_176 : i1 to i32
      %cond3A_178 = arith.constant 0 : i32
      %cond3A_179 = arith.cmpi ne, %convert_element_type3A_177, %cond3A_178 : i32
      scf.if %cond3A_179 {
        %dma_wait3A_199 = arith.constant 0 : i32
        %dma_wait3A_200 = arith.constant 0 : i32
        %dma_wait3A_201 = tpu.memref_slice %arg4[%dma_wait3A_199, %dma_wait3A_200] : memref<425984x64xf32, #tpu.memory_space<hbm>> -> memref<128x64xf32, #tpu.memory_space<hbm>>
        %dma_wait3A_202 = arith.constant 0 : i32
        %dma_wait3A_203 = arith.constant 0 : i32
        %dma_wait3A_204 = tpu.memref_slice %arg4[%dma_wait3A_202, %dma_wait3A_203] : memref<425984x64xf32, #tpu.memory_space<hbm>> -> memref<128x64xf32, #tpu.memory_space<hbm>>
        tpu.wait_dma2 semaphore(%arg22 : memref<!tpu.dma_semaphore, #tpu.memory_space<semaphore_mem>>) src(%dma_wait3A_204 : memref<128x64xf32, #tpu.memory_space<hbm>>) dst(%arg14 : memref<128x64xf32, #tpu.memory_space<vmem>>)
      } else {
      }
      %scan3A_180 = arith.constant 0 : i32
      %scan3A_181 = arith.constant 128 : i32
      %scan3A_182 = arith.addi %scan3A_180, %scan3A_181 : i32
      %scan3A_183 = arith.constant 1 : i32
      scf.for %scan3A_199 = %scan3A_180 to %scan3A_182 step %scan3A_183  : i32 {
        %mul3A_200 = arith.constant 1 : i32
        %mul3A_201 = arith.muli %scan3A_199, %mul3A_200 : i32
        %add3A_202 = arith.constant 0 : i32
        %add3A_203 = arith.addi %add3A_202, %mul3A_201 : i32
        %broadcast_in_dim3A = vector.broadcast %add3A_168 : i32 to vector<16xi32>
        %broadcast_in_dim3A_204 = vector.broadcast %add3A_203 : i32 to vector<16xi32>
        %gather3A = tpu.vector_load_idx %arg6[%broadcast_in_dim3A, %broadcast_in_dim3A_204] : memref<104x128xi32, #tpu.memory_space<vmem>>[vector<16xi32>, vector<16xi32>], vector<16xi32>,
        %broadcast_in_dim3A_205 = vector.broadcast %add3A_203 : i32 to vector<16xi32>
        %add3A_206 = arith.constant 0 : i32
        %add3A_207 = vector.broadcast %add3A_206 : i32 to vector<16xi32>
        %add3A_208 = arith.addi %iota3A, %add3A_207 : vector<16xi32>
        %add3A_209 = arith.addi %gather3A, %add3A_208 : vector<16xi32>
        %gather3A_210 = tpu.vector_load_idx %arg10[%broadcast_in_dim3A_205, %add3A_209] : memref<128x128xf32, #tpu.memory_space<vmem>>[vector<16xi32>, vector<16xi32>], vector<16xf32>,
        %swap3A = arith.index_cast %add3A_203 : i32 to index
        %swap3A_211 = arith.constant 0 : index
        %swap3A_212 = tpu.vector_load %arg14[%swap3A, %swap3A_211] {strides = array<i32>} : memref<128x64xf32, #tpu.memory_space<vmem>>, vector<16xf32>,
        tpu.vector_store %arg14[%swap3A, %swap3A_211], %gather3A_210 {strides = array<i32>} : memref<128x64xf32, #tpu.memory_space<vmem>>, vector<16xf32>,
        %broadcast_in_dim3A_213 = vector.broadcast %add3A_203 : i32 to vector<16xi32>
        %add3A_214 = arith.constant 16 : i32
        %add3A_215 = vector.broadcast %add3A_214 : i32 to vector<16xi32>
        %add3A_216 = arith.addi %iota3A, %add3A_215 : vector<16xi32>
        %add3A_217 = arith.addi %gather3A, %add3A_216 : vector<16xi32>
        %gather3A_218 = tpu.vector_load_idx %arg10[%broadcast_in_dim3A_213, %add3A_217] : memref<128x128xf32, #tpu.memory_space<vmem>>[vector<16xi32>, vector<16xi32>], vector<16xf32>,
        %swap3A_219 = arith.index_cast %add3A_203 : i32 to index
        %swap3A_220 = arith.constant 16 : index
        %swap3A_221 = tpu.vector_load %arg14[%swap3A_219, %swap3A_220] {strides = array<i32>} : memref<128x64xf32, #tpu.memory_space<vmem>>, vector<16xf32>,
        tpu.vector_store %arg14[%swap3A_219, %swap3A_220], %gather3A_218 {strides = array<i32>} : memref<128x64xf32, #tpu.memory_space<vmem>>, vector<16xf32>,
        %broadcast_in_dim3A_222 = vector.broadcast %add3A_203 : i32 to vector<16xi32>
        %add3A_223 = arith.constant 32 : i32
        %add3A_224 = vector.broadcast %add3A_223 : i32 to vector<16xi32>
        %add3A_225 = arith.addi %iota3A, %add3A_224 : vector<16xi32>
        %add3A_226 = arith.addi %gather3A, %add3A_225 : vector<16xi32>
        %gather3A_227 = tpu.vector_load_idx %arg10[%broadcast_in_dim3A_222, %add3A_226] : memref<128x128xf32, #tpu.memory_space<vmem>>[vector<16xi32>, vector<16xi32>], vector<16xf32>,
        %swap3A_228 = arith.index_cast %add3A_203 : i32 to index
        %swap3A_229 = arith.constant 32 : index
        %swap3A_230 = tpu.vector_load %arg14[%swap3A_228, %swap3A_229] {strides = array<i32>} : memref<128x64xf32, #tpu.memory_space<vmem>>, vector<16xf32>,
        tpu.vector_store %arg14[%swap3A_228, %swap3A_229], %gather3A_227 {strides = array<i32>} : memref<128x64xf32, #tpu.memory_space<vmem>>, vector<16xf32>,
        %broadcast_in_dim3A_231 = vector.broadcast %add3A_203 : i32 to vector<16xi32>
        %add3A_232 = arith.constant 48 : i32
        %add3A_233 = vector.broadcast %add3A_232 : i32 to vector<16xi32>
        %add3A_234 = arith.addi %iota3A, %add3A_233 : vector<16xi32>
        %add3A_235 = arith.addi %gather3A, %add3A_234 : vector<16xi32>
        %gather3A_236 = tpu.vector_load_idx %arg10[%broadcast_in_dim3A_231, %add3A_235] : memref<128x128xf32, #tpu.memory_space<vmem>>[vector<16xi32>, vector<16xi32>], vector<16xf32>,
        %swap3A_237 = arith.index_cast %add3A_203 : i32 to index
        %swap3A_238 = arith.constant 48 : index
        %swap3A_239 = tpu.vector_load %arg14[%swap3A_237, %swap3A_238] {strides = array<i32>} : memref<128x64xf32, #tpu.memory_space<vmem>>, vector<16xf32>,
        tpu.vector_store %arg14[%swap3A_237, %swap3A_238], %gather3A_236 {strides = array<i32>} : memref<128x64xf32, #tpu.memory_space<vmem>>, vector<16xf32>,
      }
      %scan3A_184 = arith.constant 128 : i32
      %mul3A_185 = arith.constant 128 : i32
      %mul3A_186 = arith.muli %add3A_168, %mul3A_185 : i32
      %add3A_187 = arith.addi %mul3A_2, %mul3A_186 : i32
      %dma_start3A_188 = arith.constant 0 : i32
      %dma_start3A_189 = tpu.memref_slice %arg4[%add3A_187, %dma_start3A_188] : memref<425984x64xf32, #tpu.memory_space<hbm>> -> memref<128x64xf32, #tpu.memory_space<hbm>>
      %dma_start3A_190 = arith.constant 0 : i32
      %dma_start3A_191 = tpu.memref_slice %arg4[%add3A_187, %dma_start3A_190] : memref<425984x64xf32, #tpu.memory_space<hbm>> -> memref<128x64xf32, #tpu.memory_space<hbm>>
      tpu.enqueue_dma source(%arg14 : memref<128x64xf32, #tpu.memory_space<vmem>>) target(%dma_start3A_191 : memref<128x64xf32, #tpu.memory_space<hbm>>) target_semaphore(%arg22 : memref<!tpu.dma_semaphore, #tpu.memory_space<semaphore_mem>>)
      %add3A_192 = arith.constant 4 : i32
      %add3A_193 = arith.addi %add3A_168, %add3A_192 : i32
      %lt3A_194 = arith.constant 104 : i32
      %lt3A_195 = arith.cmpi slt, %add3A_193, %lt3A_194 : i32
      %convert_element_type3A_196 = arith.extui %lt3A_195 : i1 to i32
      %cond3A_197 = arith.constant 0 : i32
      %cond3A_198 = arith.cmpi ne, %convert_element_type3A_196, %cond3A_197 : i32
      scf.if %cond3A_198 {
        %dma_start3A_199 = arith.constant 0 : i32
        %dma_start3A_200 = tpu.memref_slice %arg5[%add3A_193, %dma_start3A_199] : memref<104x128xi32, #tpu.memory_space<vmem>> -> memref<1x128xi32, #tpu.memory_space<vmem>>
        %dma_start3A_201 = tpu.memref_squeeze %dma_start3A_200 : memref<1x128xi32, #tpu.memory_space<vmem>> -> memref<128xi32, #tpu.memory_space<vmem>>
        %dma_start3A_202 = arith.constant 0 : i32
        %dma_start3A_203 = arith.constant 0 : i32
        %dma_start3A_204 = tpu.memref_slice %arg2[%dma_start3A_202, %dma_start3A_203] : memref<500000x128xf32, #tpu.memory_space<hbm>> -> memref<500000x128xf32, #tpu.memory_space<hbm>>
        tpu.enqueue_indirect_dma source(%dma_start3A_204 : memref<500000x128xf32, #tpu.memory_space<hbm>>) target(%arg10 : memref<128x128xf32, #tpu.memory_space<vmem>>) offsets(%dma_start3A_201 : memref<128xi32, #tpu.memory_space<vmem>>) semaphore(%arg18 : memref<!tpu.dma_semaphore, #tpu.memory_space<semaphore_mem>>)
      } else {
      }
    }
    %scan3A_38 = arith.constant 26 : i32
    %dma_wait3A = arith.constant 0 : i32
    %dma_wait3A_39 = arith.constant 0 : i32
    %dma_wait3A_40 = tpu.memref_slice %arg4[%dma_wait3A, %dma_wait3A_39] : memref<425984x64xf32, #tpu.memory_space<hbm>> -> memref<128x64xf32, #tpu.memory_space<hbm>>
    %dma_wait3A_41 = arith.constant 0 : i32
    %dma_wait3A_42 = arith.constant 0 : i32
    %dma_wait3A_43 = tpu.memref_slice %arg4[%dma_wait3A_41, %dma_wait3A_42] : memref<425984x64xf32, #tpu.memory_space<hbm>> -> memref<128x64xf32, #tpu.memory_space<hbm>>
    tpu.wait_dma2 semaphore(%arg19 : memref<!tpu.dma_semaphore, #tpu.memory_space<semaphore_mem>>) src(%dma_wait3A_43 : memref<128x64xf32, #tpu.memory_space<hbm>>) dst(%arg11 : memref<128x64xf32, #tpu.memory_space<vmem>>)
    %dma_wait3A_44 = arith.constant 0 : i32
    %dma_wait3A_45 = arith.constant 0 : i32
    %dma_wait3A_46 = tpu.memref_slice %arg4[%dma_wait3A_44, %dma_wait3A_45] : memref<425984x64xf32, #tpu.memory_space<hbm>> -> memref<128x64xf32, #tpu.memory_space<hbm>>
    %dma_wait3A_47 = arith.constant 0 : i32
    %dma_wait3A_48 = arith.constant 0 : i32
    %dma_wait3A_49 = tpu.memref_slice %arg4[%dma_wait3A_47, %dma_wait3A_48] : memref<425984x64xf32, #tpu.memory_space<hbm>> -> memref<128x64xf32, #tpu.memory_space<hbm>>
    tpu.wait_dma2 semaphore(%arg20 : memref<!tpu.dma_semaphore, #tpu.memory_space<semaphore_mem>>) src(%dma_wait3A_49 : memref<128x64xf32, #tpu.memory_space<hbm>>) dst(%arg12 : memref<128x64xf32, #tpu.memory_space<vmem>>)
    %dma_wait3A_50 = arith.constant 0 : i32
    %dma_wait3A_51 = arith.constant 0 : i32
    %dma_wait3A_52 = tpu.memref_slice %arg4[%dma_wait3A_50, %dma_wait3A_51] : memref<425984x64xf32, #tpu.memory_space<hbm>> -> memref<128x64xf32, #tpu.memory_space<hbm>>
    %dma_wait3A_53 = arith.constant 0 : i32
    %dma_wait3A_54 = arith.constant 0 : i32
    %dma_wait3A_55 = tpu.memref_slice %arg4[%dma_wait3A_53, %dma_wait3A_54] : memref<425984x64xf32, #tpu.memory_space<hbm>> -> memref<128x64xf32, #tpu.memory_space<hbm>>
    tpu.wait_dma2 semaphore(%arg21 : memref<!tpu.dma_semaphore, #tpu.memory_space<semaphore_mem>>) src(%dma_wait3A_55 : memref<128x64xf32, #tpu.memory_space<hbm>>) dst(%arg13 : memref<128x64xf32, #tpu.memory_space<vmem>>)
    %dma_wait3A_56 = arith.constant 0 : i32
    %dma_wait3A_57 = arith.constant 0 : i32
    %dma_wait3A_58 = tpu.memref_slice %arg4[%dma_wait3A_56, %dma_wait3A_57] : memref<425984x64xf32, #tpu.memory_space<hbm>> -> memref<128x64xf32, #tpu.memory_space<hbm>>
    %dma_wait3A_59 = arith.constant 0 : i32
    %dma_wait3A_60 = arith.constant 0 : i32
    %dma_wait3A_61 = tpu.memref_slice %arg4[%dma_wait3A_59, %dma_wait3A_60] : memref<425984x64xf32, #tpu.memory_space<hbm>> -> memref<128x64xf32, #tpu.memory_space<hbm>>
    tpu.wait_dma2 semaphore(%arg22 : memref<!tpu.dma_semaphore, #tpu.memory_space<semaphore_mem>>) src(%dma_wait3A_61 : memref<128x64xf32, #tpu.memory_space<hbm>>) dst(%arg14 : memref<128x64xf32, #tpu.memory_space<vmem>>)
    return
  }
}

</mosaic_0001>

<sc_bundles>
// kernel: kernel.3.cloned.1.call-start
scs
__scs_entry_jumppad:
0x0: {  	(pc) =	sbr.rel $0x88, $3  }
0x1: {  	(tag) =	ssettag $0x0;
	lr =	simm.s32 $0x1  }
0x2: {  	[smem:$0x3F9F] =	sst lr;
	_ =	strace $0xD0000000  }
0x3: {  	_ = 	snop  }
0x4: {  	_ = 	snop  }
0x5: {  	_ = 	snop  }
0x6: {  	_ = 	snop  }
0x7: {  	_ = 	snop  }
__scs_overlays_trampoline_lowered:
0x8: {  	[smem:$0x3FAE] =	sst s0  }
0x9: {  	[smem:$0x3FAF] =	sst s1  }
0xa: {  	[smem:$0x3FB0] =	sst s2  }
0xb: {  	[smem:$0x3FB1] =	sst s3  }
0xc: {  	[smem:$0x3FB2] =	sst s4  }
0xd: {  	[smem:$0x3FB3] =	sst s5  }
0xe: {  	[smem:$0x3FB4] =	sst s6  }
0xf: {  	[smem:$0x3FB5] =	sst s7  }
0x10: {  	[smem:$0x3FB6] =	sst s8  }
0x11: {  	[smem:$0x3FB7] =	sst s9;
	s0 =	simm.s32 @!p0 $0x0  }
0x12: {  	s1 =	sld [smem:$0x3F9D];
	s0 =	simm.s32 @p0 $0x1  }
0x13: {  	[smem:$0x3FB8] =	sst s0;
	s0 =	simm.s32 @!p1 $0x0  }
0x14: {  	s2 =	sld [smem:$0x3F9C];
	s0 =	simm.s32 @p1 $0x1  }
0x15: {  	[smem:$0x3FB9] =	sst s0;
	s0 =	simm.s32 @!p2 $0x0  }
0x16: {  	s3 =	sld [smem:$0x3FDB];
	s0 =	simm.s32 @p2 $0x1  }
0x17: {  	s4 =	simm.s32 $0x1BF5;
	[smem:$0x3FBB] =	sst s0  }
0x18: {  	s0 =	sld [smem:$0x3F9E];
	_ =	swait.ge [sflag:s4], $0x0  }
0x19: {  	s7 =	sld [smem:$0x3F9F]  }
0x1a: {  	s8 =	sadd.s32 $0xFFFFE003, lr  }
0x1b: {  	s9 =	sadd.s32 $0xFFFFFEF7, lr;
	s5 =	simm.s32 $0xFFFFFFFF;
	p2 =	slt.u32 s8, $0xFFFFF086  }
0x1c: {  	p1 =	slt.u32 s9, $0xF7A;
	s5 =	simm.s32 @!p2 $0x0  }
0x1d: {  	s5 =	simm.s32 @p1 $0x1;
	p0 =	seq.s32 s7, s2  }
0x1e: {  	s7 =	smul.u32 @!p0 $0xF7A, s2;
	p2 =	seq.s32 @!p0 s5, $0x0  }
0x1f: {  	s9 =	smul.u32 $0xF7A, s1;
	s8 =	simm.s32 @!p0 $0x1BF5;
	p2 =	por !p2, p0  }
0x20: {  	[sflag:s8] =	ssyncset.s32 @!p0 $0xFFFFF086;
	s6 =	sadd.s32 @!p0 s3, s7;
	s7 =	simm.s32 @!p0 $0x108  }
0x21: {  	s3 =	sadd.s32 s3, s9;
	s6 =	sadd.s32 @!p0 $0x88, s6;
	s7 =	simm.s32 @p2 $0x1082  }
0x22: {  	[simem:s7], [sflag:s8] =	dma.local @!p0 [hbm:s6], $0xF7A  }
0x23: {  	s9 =	sor.u32 $0xD0000000, s2;
	s6 =	simm.s32 $0x108;
	_ =	swait.ge @!p0 [sflag:s8], $0x0  }
0x24: {  	s3 =	sadd.s32 $0x88, s3;
	s6 =	simm.s32 @!p1 $0x1082;
	[sflag:s4] =	ssyncset.s32 $0xFFFFF086  }
0x25: {  	[simem:s6], [sflag:s4] =	dma.local [hbm:s3], $0xF7A  }
0x26: {  	[smem:$0x3F9F] =	sst s1;
	(tag) =	ssettag s2;
	_ =	strace s9  }
0x27: {  	s1 =	sld [smem:$0x3FAF]  }
0x28: {  	s2 =	sld [smem:$0x3FB0]  }
0x29: {  	s4 =	sld [smem:$0x3FB2]  }
0x2a: {  	p0 =	seq.s32 s5, $0x0;
	s5 =	sld [smem:$0x3FB3]  }
0x2b: {  	s6 =	sld [smem:$0x3FB4]  }
0x2c: {  	s7 =	sld [smem:$0x3FB5]  }
0x2d: {  	s3 =	simm.s32 $0x108;
	s8 =	sld [smem:$0x3FB6]  }
0x2e: {  	s3 =	simm.s32 @!p0 $0x1082;
	s9 =	sld [smem:$0x3FB7]  }
0x2f: {  	lr =	sadd.s32 s0, s3;
	s0 =	sld [smem:$0x3FAE]  }
0x30: {  	s3 =	sld [smem:$0x3FB1]  }
0x31: {  	[smem:$0x3FBA] =	sst s10  }
0x32: {  	s10 =	sld [smem:$0x3FB8];
	_ =	sdelay $0x3  }
0x33: {  	p0 =	seq.s32 s10, $0x1;
	s10 =	sld [smem:$0x3FBA];
	_ =	sdelay $0x3  }
0x34: {  	[smem:$0x3FBA] =	sst s10  }
0x35: {  	s10 =	sld [smem:$0x3FB9];
	_ =	sdelay $0x3  }
0x36: {  	p1 =	seq.s32 s10, $0x1;
	s10 =	sld [smem:$0x3FBA];
	_ =	sdelay $0x3  }
0x37: {  	[smem:$0x3FBA] =	sst s10  }
0x38: {  	s10 =	sld [smem:$0x3FBB]  }
0x39: {  	_ = 	snop;
	(pc) =	sbr.ind lr, $3  }
0x3a: {  	_ = 	snop  }
0x3b: {  	_ = 	snop  }
0x3c: {  	p2 =	seq.s32 s10, $0x1;
	s10 =	sld [smem:$0x3FBA]  }
0x3d: {  	_ =	shalt  }
0x3e: {  	_ =	shalt  }
0x3f: {  	_ =	shalt  }
0x40: {  	_ =	shalt  }
0x41: {  	_ =	shalt  }
0x42: {  	_ =	shalt  }
0x43: {  	_ =	shalt  }
0x44: {  	_ =	shalt  }
0x45: {  	_ =	shalt  }
0x46: {  	_ =	shalt  }
0x47: {  	_ =	shalt  }
0x48: {  	_ =	shalt  }
0x49: {  	_ =	shalt  }
0x4a: {  	_ =	shalt  }
0x4b: {  	_ =	shalt  }
0x4c: {  	_ =	shalt  }
0x4d: {  	_ =	shalt  }
0x4e: {  	_ =	shalt  }
0x4f: {  	_ =	shalt  }
0x50: {  	_ =	shalt  }
0x51: {  	_ =	shalt  }
0x52: {  	_ =	shalt  }
0x53: {  	_ =	shalt  }
0x54: {  	_ =	shalt  }
0x55: {  	_ =	shalt  }
0x56: {  	_ =	shalt  }
0x57: {  	_ =	shalt  }
0x58: {  	_ =	shalt  }
0x59: {  	_ =	shalt  }
0x5a: {  	_ =	shalt  }
0x5b: {  	_ =	shalt  }
0x5c: {  	_ =	shalt  }
0x5d: {  	_ =	shalt  }
0x5e: {  	_ =	shalt  }
0x5f: {  	_ =	shalt  }
0x60: {  	_ =	shalt  }
0x61: {  	_ =	shalt  }
0x62: {  	_ =	shalt  }
0x63: {  	_ =	shalt  }
0x64: {  	_ =	shalt  }
0x65: {  	_ =	shalt  }
0x66: {  	_ =	shalt  }
0x67: {  	_ =	shalt  }
0x68: {  	_ =	shalt  }
0x69: {  	_ =	shalt  }
0x6a: {  	_ =	shalt  }
0x6b: {  	_ =	shalt  }
0x6c: {  	_ =	shalt  }
0x6d: {  	_ =	shalt  }
0x6e: {  	_ =	shalt  }
0x6f: {  	_ =	shalt  }
0x70: {  	_ =	shalt  }
0x71: {  	_ =	shalt  }
0x72: {  	_ =	shalt  }
0x73: {  	_ =	shalt  }
0x74: {  	_ =	shalt  }
0x75: {  	_ =	shalt  }
0x76: {  	_ =	shalt  }
0x77: {  	_ =	shalt  }
0x78: {  	_ =	shalt  }
0x79: {  	_ =	shalt  }
0x7a: {  	_ =	shalt  }
0x7b: {  	_ =	shalt  }
0x7c: {  	_ =	shalt  }
0x7d: {  	_ =	shalt  }
0x7e: {  	_ =	shalt  }
0x7f: {  	_ =	shalt  }
0x80: {  	_ =	shalt  }
0x81: {  	_ =	shalt  }
0x82: {  	_ =	shalt  }
0x83: {  	_ =	shalt  }
0x84: {  	_ =	shalt  }
0x85: {  	_ =	shalt  }
0x86: {  	_ =	shalt  }
0x87: {  	_ =	shalt  }
.Lfunc_end0:
.L_simem_size_0:
called_computation.1_lowered:
.L_overlay_start_0:
0x88: {  	s2 =	sld [smem:$0x3FD9]  }
0x89: {  	s3 =	sld [smem:$0x3FFE];
	_ =	sdelay $0x1  }
0x8a: {  	s1 =	srdreg.scid  }
0x8b: {  	s0 =	sand.u32 $0x1, s1  }
0x8c: {  	s17 =	sshll.u32 s0, $0xA;
	s2 =	sadd.s32 s3, s2  }
0x8d: {  	s2 =	sadd.s32 s2, s17  }
0x8e: {  	[smem:$0x3FC6] =	sst s2  }
0x8f: {  	_ = 	snop  }
0x90: {  	s2 =	sld [smem:$0x3FD0];
	(tm) =	ssettm $0x1  }
0x91: {  	s18 =	sld [smem:$0x3FFB];
	_ =	sdelay $0x3  }
0x92: {  	_ =	strace s18  }
0x93: {  	s3 =	sld [smem:$0x3FFC];
	_ =	sdelay $0x3  }
0x94: {  	_ =	strace s3  }
0x95: {  	s3 =	sld [smem:$0x3FFD];
	_ =	sdelay $0x3  }
0x96: {  	_ =	strace s3  }
0x97: {  	_ =	strace $0x8FFFFFFF  }
0x98: {  	s19 =	sld [smem:$0x3FDB];
	_ =	sdelay $0x1  }
0x99: {  	s4 =	simm.s32 $_scs_section_size  }
0x9a: {  	s5 =	simm.s32 $_size__tile_overlayer_lowered;
	s6 =	simm.s32 $_tile_overlayer_lowered  }
0x9b: {  	s22 =	simm.s32 $0x1BFF;
	s21 =	sshll.u32 s6, $0x1;
	s3 =	sadd.s32 s4, s19  }
0x9c: {  	s7 =	simm.s32 $0x0;
	s20 =	sshll.u32 s5, $0x1;
	s5 =	sadd.s32 s21, s3  }
0x9d: {  	[timem:s7], [sflag:s22] =	dma.local [hbm:s5], s20  }
0x9e: {  	_ =	swait.ge [sflag:s22], s20  }
0x9f: {  	s4 =	ssub.s32 $0x0, s20;
	[sflag:s22] =	ssyncset.done $0x0  }
0xa0: {  	[sflag:s22] =	ssyncadd.s32 s4;
	_ =	sdelay $0x1  }
0xa1: {  	s23 =	simm.s32 $0x1B8B  }
0xa2: {  	_ =	swait.ge [sflag:s23], $0x1  }
0xa3: {  	[sflag:s23] =	ssyncset.done $0x0  }
0xa4: {  	s25 =	simm.s32 $0x1B8E;
	s24 =	sld [smem:$0x3FFE];
	[sflag:s23] =	ssyncadd.s32 $0xFFFFFFFF  }
0xa5: {  	s26 =	simm.s32 $execute0_lowered;
	[smem:$0x3FD2] =	sst s25  }
0xa6: {  	s5 =	sshll.u32 s26, $0x1;
	_ =	strace $0x80000046;
	[dreg:$0x1] =	wrdreg $0xFFFFFFFF  }
0xa7: {  	s28 =	simm.s32 $_size_execute0_lowered;
	s3 =	sadd.s32 s3, s5;
	[dreg:$0x0] =	wrdreg $0x0  }
0xa8: {  	s5 =	sshll.u32 s28, $0x1;
	[dreg:$0x2] =	wrdreg s3  }
0xa9: {  	[dreg:$0x3] =	wrdreg s5  }
0xaa: {  	[dreg:$0x4] =	wrdreg $0xC0  }
0xab: {  	_ =	task [dreg:s7], $0x5FFFF  }
0xac: {  	[dreg:$0x1] =	wrdreg $0xFFFFFFFF  }
0xad: {  	[dreg:$0x0] =	wrdreg $0x60  }
0xae: {  	[dreg:$0x2] =	wrdreg s24  }
0xaf: {  	[dreg:$0x3] =	wrdreg s2  }
0xb0: {  	[dreg:$0x4] =	wrdreg $0x9  }
0xb1: {  	_ =	task.clear_ibuf [dreg:s7], $0x5FFFF;
	_ =	strace $0x90000046  }
0xb2: {  	s29 =	simm.s32 $0x9;
	_ =	strace $0x80000048  }
0xb3: {  	_ =	swait.ge [sflag:s29], $0x1  }
0xb4: {  	[sflag:s29] =	ssyncadd.s32 $0xFFFFFFFF  }
0xb5: {  	_ =	strace $0x90000048  }
0xb6: {  	_ =	sfence  }
0xb7: {  	s30 =	sld [smem:$0x0];
	_ =	sdelay $0x2  }
0xb8: {  	s31 =	sshll.u32 s1, $0xD;
	s1 =	sshrl.u32 s1, $0x2  }
0xb9: {  	s3 =	sand.u32 $0x4000, s31;
	s1 =	sadd.s32 s1, s30  }
0xba: {  	s0 =	sor.u32 s3, s0;
	s1 =	sshll.u32 s1, $0x11  }
0xbb: {  	s0 =	sor.u32 s1, s0  }
0xbc: {  	s0 =	sadd.s32 $0x8F2B, s0  }
0xbd: {  	[sflag:s0] =	ssyncadd.remote.s32 $0x1  }
0xbe: {  	_ =	sfence.sel $0xFFFF  }
0xbf: {  	[dreg:$0x0] =	wrdreg $0xFFFFFFFF;
	(pc) =	sbr.abs _section_cstart, $3  }
0xc0: {  	[dreg:$0x1] =	wrdreg $0xFFFFFFFF  }
0xc1: {  	_ =	task.clear_ibuf [dreg:s7], $0x2FFFF;
	_ =	strace $0x9FFFFFFF  }
0xc2: {  	(tm) =	ssettm $0x7FFFFFFF  }
0xc3: {  	_ =	shalt  }
tec
execute0_lowered:
.L_overlay_start_1:
0x0: {  	(tag) =	ssettag $0x1  }
0x1: {  	s0 =	srdreg.scid  }
0x2: {  	s2 =	stileid.u32;
	s1 =	rddreg [dreg:$0x0]  }
0x3: {  	s9 =	simm.s32 $0x80;
	s10 =	simm.s32 $0x6800;
	s11 =	simm.s32 $0xA800  }
0x4: {  	s13 =	simm.s32 $0xE800;
	s15 =	simm.s32 $0x12800;
	s16 =	simm.s32 $0x1  }
0x5: {  	s17 =	simm.s32 $0x3400;
	s18 =	simm.s32 $0x16800;
	s19 =	simm.s32 $0x2  }
0x6: {  	s20 =	simm.s32 $0x18800;
	s21 =	simm.s32 $0x3;
	s22 =	simm.s32 $0x1A800  }
0x7: {  	s23 =	simm.s32 $0x4;
	s0 =	sand.u32 $0x1, s0;
	s3 =	sshll.u32 s2, $0x1  }
0x8: {  	s24 =	simm.s32 $0x1C800;
	s29 =	simm.s32 $0x8;
	s5 =	sor.u32 s0, s3  }
0x9: {  	s30 =	simm.s32 $0x0;
	s0 =	ssub.s32 $0x2, s0;
	s4 =	smul.u32 $0x680, s5  }
.Ltmp0:
0xa: {  	s31 =	simm.s32 $0x0;
	s7 =	sshrl.u32 s0, $0x1;
	(pc) =	sbr.rel .LBB2_1-.Ltmp0, $4  }
0xb: {  	s2 =	rddreg [dreg:$0x1];
	s3 =	simm.s32 $0x0;
	s0 =	ssub.s32 s0, s7  }
0xc: {  	[smem:$0x7FF] =	sst s3;
	s6 =	sadd.s32 s4, s1;
	s0 =	smax.u32 s0, $0x1  }
0xd: {  	v0 =	vlaneseq.u32;
	_ =	strace $0x80000047;
	s28 =	sadd.s32 $0xA00, s6;
	[dreg:$0x4] =	wrdreg s0  }
0xe: {  	v1 =	vor.u32 $0x10, v0;
	v2 =	vor.u32 $0x20, v0;
	v3 =	vor.u32 $0x30, v0;
	s4 =	sadd.s32 $0xF42E00, s1;
	s6 =	smul.u32 $0xD0000, s5;
	[dreg:$0x3] =	wrdreg s28  }
.LBB2_14:
0xf: {  	s0 =	simm.s32 $0x5  }
0x10: {  	_ =	swait.ge [sflag:s0], $0x2000  }
0x11: {  	[sflag:s0] =	ssyncset.done $0x0  }
0x12: {  	s25 =	simm.s32 $0x6;
	[sflag:s0] =	ssyncadd.s32 $0xFFFFE000  }
0x13: {  	_ =	swait.ge [sflag:s25], $0x2000  }
0x14: {  	[sflag:s25] =	ssyncset.done $0x0  }
0x15: {  	s26 =	simm.s32 $0x7;
	[sflag:s25] =	ssyncadd.s32 $0xFFFFE000  }
0x16: {  	_ =	swait.ge [sflag:s26], $0x2000  }
0x17: {  	[sflag:s26] =	ssyncset.done $0x0  }
0x18: {  	[sflag:s26] =	ssyncadd.s32 $0xFFFFE000  }
0x19: {  	_ =	swait.ge [sflag:s29], $0x2000  }
0x1a: {  	s30 =	sadd.s32 $0x1, s30;
	s28 =	rddreg [dreg:$0x4]  }
0x1b: {  	p0 =	sne.s32 s30, s28  }
.Ltmp1:
0x1c: {  	_ = 	snop;
	(pc) =	sbr.rel @!p0 .LBB2_15-.Ltmp1, $3  }
0x1d: {  	_ =	sdelay $0x1  }
0x1e: {  	[sflag:s29] =	ssyncset.done $0x0  }
0x1f: {  	[sflag:s29] =	ssyncadd.s32 $0xFFFFE000  }
.LBB2_1:
0x20: {  	s0 =	rddreg [dreg:$0x3];
	s28 =	simm.s32 $0x9  }
0x21: {  	[tilespmem:s3], [sflag:$0x9] =	stream.linear.gather [hbm4b:s0+s3], $0x3400, $0x38;
	[tilespmem:$0x1E800] =	vst v63  }
0x22: {  	_ =	swait.ge [sflag:s28], $0x3400  }
0x23: {  	[sflag:s28] =	ssyncset.done $0x0  }
0x24: {  	s0 =	simm.s32 $0x0;
	[sflag:s28] =	ssyncadd.s32 $0xFFFFCC00  }
0x25: {  	v5 =	vld [tilespmem:s0+$0x0]  }
0x26: {  	v8 =	vld [tilespmem:s0+$0x10]  }
0x27: {  	v7 =	vld [tilespmem:s0+$0x20]  }
0x28: {  	v6 =	vld [tilespmem:s0+$0x30]  }
0x29: {  	v4 =	vld [tilespmem:s0+$0x40]  }
0x2a: {  	s1 =	simm.s32 $0x200;
	v10 =	vshra.s32 v5, $0x1;
	v9 =	vshll.u32 v5, $0x6;
	v5 =	vld [tilespmem:s0+$0x50]  }
.LBB2_2:
0x2b: {  	p0 =	sne.s32 s1, $0xCE00;
	[tilespmem:s0+$0x0] =	vst v10;
	v9 =	vand.u32 $0x40, v9;
	v10 =	vshra.s32 v8, $0x1;
	v8 =	vshll.u32 v8, $0x6;
	v11 =	vld [tilespmem:s0+$0x60]  }
0x2c: {  	[tilespmem:s0+$0x10] =	vst v10;
	v8 =	vand.u32 $0x40, v8;
	v10 =	vshra.s32 v7, $0x1;
	v7 =	vshll.u32 v7, $0x6;
	v12 =	vld [tilespmem:s0+$0x70]  }
0x2d: {  	[tilespmem:s0+$0x20] =	vst v10;
	v7 =	vand.u32 $0x40, v7;
	v10 =	vshra.s32 v6, $0x1;
	v6 =	vshll.u32 v6, $0x6  }
0x2e: {  	[tilespmem:s0+$0x30] =	vst v10;
	v6 =	vand.u32 $0x40, v6;
	v10 =	vshra.s32 v4, $0x1;
	v4 =	vshll.u32 v4, $0x6  }
0x2f: {  	[tilespmem:s0+$0x40] =	vst v10;
	v4 =	vand.u32 $0x40, v4;
	v10 =	vshra.s32 v5, $0x1;
	v5 =	vshll.u32 v5, $0x6  }
0x30: {  	[tilespmem:s0+$0x50] =	vst v10;
	v5 =	vand.u32 $0x40, v5;
	v10 =	vshra.s32 v11, $0x1;
	v11 =	vshll.u32 v11, $0x6  }
0x31: {  	[tilespmem:s0+$0x60] =	vst v10;
	v10 =	vand.u32 $0x40, v11;
	v11 =	vshra.s32 v12, $0x1;
	v12 =	vshll.u32 v12, $0x6  }
0x32: {  	[tilespmem:s0+$0x70] =	vst v11;
	v11 =	vand.u32 $0x40, v12  }
0x33: {  	[tilespmem:s0+$0x3400] =	vst v9  }
0x34: {  	s5 =	sshra.s32 s1, $0x2;
	[tilespmem:s0+$0x3410] =	vst v8  }
0x35: {  	v9 =	vld [tilespmem:s5+$0x0];
	[tilespmem:s0+$0x3420] =	vst v7  }
.Ltmp2:
0x36: {  	v8 =	vld [tilespmem:s5+$0x10];
	[tilespmem:s0+$0x3430] =	vst v6;
	(pc) =	sbr.rel @p0 .LBB2_2-.Ltmp2, $4  }
0x37: {  	v7 =	vld [tilespmem:s5+$0x20];
	[tilespmem:s0+$0x3440] =	vst v4  }
0x38: {  	v6 =	vld [tilespmem:s5+$0x30];
	[tilespmem:s0+$0x3450] =	vst v5  }
0x39: {  	v4 =	vld [tilespmem:s5+$0x40];
	[tilespmem:s0+$0x3460] =	vst v10  }
0x3a: {  	s1 =	sadd.s32 $0x200, s1;
	v10 =	vshra.s32 v9, $0x1;
	v9 =	vshll.u32 v9, $0x6;
	v5 =	vld [tilespmem:s5+$0x50];
	[tilespmem:s0+$0x3470] =	vst v11;
	s0 =	smov.u32 s5  }
0x3b: {  	[tilespmem:s0+$0x0] =	vst v10;
	v52 =	vshra.s32 v8, $0x1  }
0x3c: {  	v9 =	vand.u32 $0x40, v9;
	[tilespmem:s0+$0x10] =	vst v52  }
0x3d: {  	v59 =	vshll.u32 v8, $0x6;
	v53 =	vshra.s32 v7, $0x1;
	[tilespmem:s0+$0x3400] =	vst v9  }
0x3e: {  	v8 =	vand.u32 $0x40, v59;
	[tilespmem:s0+$0x20] =	vst v53  }
0x3f: {  	v60 =	vshll.u32 v7, $0x6;
	v54 =	vshra.s32 v6, $0x1;
	[tilespmem:s0+$0x3410] =	vst v8  }
0x40: {  	v11 =	vld [tilespmem:s0+$0x60];
	v7 =	vand.u32 $0x40, v60;
	[tilespmem:s0+$0x30] =	vst v54  }
0x41: {  	v12 =	vld [tilespmem:s0+$0x70];
	v61 =	vshll.u32 v6, $0x6;
	v55 =	vshra.s32 v4, $0x1;
	[tilespmem:s0+$0x3420] =	vst v7  }
0x42: {  	v6 =	vand.u32 $0x40, v61;
	[tilespmem:s0+$0x40] =	vst v55  }
0x43: {  	v4 =	vshll.u32 v4, $0x6;
	v56 =	vshra.s32 v5, $0x1;
	[tilespmem:s0+$0x3430] =	vst v6  }
0x44: {  	v4 =	vand.u32 $0x40, v4;
	[tilespmem:s0+$0x50] =	vst v56  }
0x45: {  	v57 =	vshra.s32 v11, $0x1;
	[tilespmem:s0+$0x3440] =	vst v4  }
0x46: {  	v5 =	vshll.u32 v5, $0x6;
	v58 =	vshra.s32 v12, $0x1;
	[tilespmem:s0+$0x60] =	vst v57  }
0x47: {  	v5 =	vand.u32 $0x40, v5;
	v62 =	vshll.u32 v11, $0x6;
	[tilespmem:s0+$0x70] =	vst v58  }
0x48: {  	v63 =	vshll.u32 v12, $0x6;
	v4 =	vand.u32 $0x40, v62;
	[tilespmem:s0+$0x3450] =	vst v5  }
0x49: {  	v5 =	vand.u32 $0x40, v63;
	[tilespmem:s0+$0x3460] =	vst v4  }
0x4a: {  	[tilespmem:s0+$0x3470] =	vst v5  }
0x4b: {  	[tilespmem:s10], [sflag:$0x1] =	stream.indirect.gather [hbm4b:s4+s9], $0x80, s31, s9, $0xb8;
	[tilespmem:$0x1E800] =	vst v63  }
0x4c: {  	_ = 	snop  }
0x4d: {  	[tilespmem:s11], [sflag:$0x2] =	stream.indirect.gather [hbm4b:s4+s9], $0x80, s9, s9, $0xb8;
	[tilespmem:$0x1E800] =	vst v63  }
0x4e: {  	s26 =	simm.s32 $0x100  }
0x4f: {  	[tilespmem:s13], [sflag:$0x3] =	stream.indirect.gather [hbm4b:s4+s9], $0x80, s26, s9, $0xb8;
	[tilespmem:$0x1E800] =	vst v63  }
0x50: {  	s28 =	simm.s32 $0x180;
	s1 =	simm.s32 $0x0  }
0x51: {  	[tilespmem:s15], [sflag:$0x4] =	stream.indirect.gather [hbm4b:s4+s9], $0x80, s28, s9, $0xb8;
	[tilespmem:$0x1E800] =	vst v63  }
.LBB2_4:
0x52: {  	s0 =	sshll.u32 s1, $0x2  }
0x53: {  	s12 =	sshll.u32 s0, $0x7  }
0x54: {  	_ =	swait.ge [sflag:s16], $0x4000;
	s5 =	sor.u32 s12, s31  }
0x55: {  	p0 =	seq.s32 s1, $0x0;
	[sflag:s16] =	ssyncset.done $0x0;
	v4 =	vmov s5  }
0x56: {  	[sflag:s16] =	ssyncadd.s32 $0xFFFFC000;
	s5 =	simm.s32 @!p0 $0x5  }
0x57: {  	_ =	swait.ge @!p0 [sflag:s5], $0x2000  }
0x58: {  	[sflag:s5] =	ssyncset.done @!p0 $0x0  }
0x59: {  	[sflag:s5] =	ssyncadd.s32 @!p0 $0xFFFFE000  }
0x5a: {  	v4 =	vld.idx.msk [tilespmem:v4+s17+$0x0], $0xffff;
	_ =	sdelay $0x2  }
0x5b: {  	v5 =	vmov s31  }
0x5c: {  	v5 =	vshll.u32 v5, $0x7  }
0x5d: {  	v5 =	vbroadcast v5, $0x0;
	v6 =	vadd.s32 v0, v4  }
0x5e: {  	v7 =	vand.u32 $0xFFFFFFF8, v6  }
0x5f: {  	v6 =	vand.u32 $0x7, v6;
	v7 =	vadd.s32 v5, v7  }
0x60: {  	v6 =	vor.u32 v6, v7;
	_ =	sdelay $0x2  }
0x61: {  	v7 =	vadd.s32 v1, v4  }
0x62: {  	v8 =	vand.u32 $0xFFFFFFF8, v7  }
0x63: {  	v7 =	vand.u32 $0x7, v7;
	v8 =	vadd.s32 v5, v8;
	v6 =	vld.idx.msk [tilespmem:v6+s10+$0x0], $0xffff  }
0x64: {  	v7 =	vor.u32 v7, v8;
	_ =	sdelay $0x2  }
0x65: {  	s5 =	simm.s32 $0x16820;
	v62 =	vadd.s32 v2, v4  }
0x66: {  	v9 =	vand.u32 $0xFFFFFFF8, v62;
	[tilespmem:s5+$0xFFFFFFE0] =	vst v6  }
0x67: {  	v8 =	vand.u32 $0x7, v62;
	v6 =	vadd.s32 v5, v9;
	v7 =	vld.idx.msk [tilespmem:v7+s10+$0x0], $0xffff  }
0x68: {  	v6 =	vor.u32 v8, v6;
	_ =	sdelay $0x2  }
0x69: {  	v4 =	vadd.s32 v3, v4  }
0x6a: {  	v63 =	vand.u32 $0xFFFFFFF8, v4;
	[tilespmem:s5+$0xFFFFFFF0] =	vst v7  }
0x6b: {  	v4 =	vand.u32 $0x7, v4;
	v5 =	vadd.s32 v5, v63;
	v6 =	vld.idx.msk [tilespmem:v6+s10+$0x0], $0xffff  }
0x6c: {  	v4 =	vor.u32 v4, v5;
	_ =	sdelay $0x3  }
0x6d: {  	s7 =	simm.s32 $0x1;
	[tilespmem:s5+$0x0] =	vst v6  }
0x6e: {  	s14 =	sor.u32 s12, s7;
	v5 =	vld.idx.msk [tilespmem:v4+s10+$0x0], $0xffff  }
0x6f: {  	s8 =	simm.s32 $0x2;
	v4 =	vmov s14;
	s14 =	simm.s32 $0x16820  }
.LBB2_5:
0x70: {  	_ = 	snop  }
0x71: {  	p1 =	sne.s32 s8, $0x7F  }
0x72: {  	s5 =	sadd.s32 $0x40, s5;
	s25 =	smov.u32 s8;
	s8 =	sadd.s32 $0x1, s8  }
0x73: {  	[tilespmem:s14+$0x10] =	vst v5;
	s14 =	smov.u32 s5  }
0x74: {  	v4 =	vld.idx.msk [tilespmem:v4+s17+$0x0], $0xffff;
	_ =	sdelay $0x2  }
0x75: {  	v5 =	vmov s7;
	s7 =	smov.u32 s25  }
0x76: {  	v5 =	vshll.u32 v5, $0x7;
	_ =	sdelay $0x1  }
0x77: {  	v5 =	vbroadcast v5, $0x0;
	v6 =	vadd.s32 v0, v4;
	v7 =	vadd.s32 v1, v4  }
0x78: {  	v8 =	vand.u32 $0xFFFFFFF8, v6;
	v6 =	vand.u32 $0x7, v6;
	v9 =	vand.u32 $0xFFFFFFF8, v7  }
0x79: {  	v10 =	vadd.s32 v2, v4;
	v8 =	vadd.s32 v5, v8;
	v9 =	vadd.s32 v5, v9  }
0x7a: {  	v4 =	vadd.s32 v3, v4;
	v6 =	vor.u32 v6, v8;
	v8 =	vand.u32 $0xFFFFFFF8, v10  }
0x7b: {  	v11 =	vand.u32 $0xFFFFFFF8, v4;
	v8 =	vadd.s32 v5, v8  }
0x7c: {  	v5 =	vadd.s32 v5, v11;
	_ =	sdelay $0x2  }
0x7d: {  	v7 =	vand.u32 $0x7, v7;
	v6 =	vld.idx.msk [tilespmem:v6+s10+$0x0], $0xffff  }
0x7e: {  	v7 =	vor.u32 v7, v9;
	_ =	sdelay $0x4  }
0x7f: {  	[tilespmem:s5+$0xFFFFFFE0] =	vst v6  }
0x80: {  	v6 =	vld.idx.msk [tilespmem:v7+s10+$0x0], $0xffff;
	v7 =	vand.u32 $0x7, v10  }
0x81: {  	v7 =	vor.u32 v7, v8;
	_ =	sdelay $0x4  }
0x82: {  	[tilespmem:s5+$0xFFFFFFF0] =	vst v6  }
0x83: {  	v4 =	vand.u32 $0x7, v4;
	v6 =	vld.idx.msk [tilespmem:v7+s10+$0x0], $0xffff  }
0x84: {  	v4 =	vor.u32 v4, v5;
	_ =	sdelay $0x2  }
.Ltmp3:
0x85: {  	(pc) =	sbr.rel @p1 .LBB2_5-.Ltmp3, $4  }
0x86: {  	_ = 	snop  }
0x87: {  	[tilespmem:s5+$0x0] =	vst v6  }
0x88: {  	s25 =	sor.u32 s12, s7;
	v5 =	vld.idx.msk [tilespmem:v4+s10+$0x0], $0xffff  }
0x89: {  	v4 =	vmov s25  }
0x8a: {  	_ =	sdelay $0x2  }
0x8b: {  	[tilespmem:s14+$0x10] =	vst v5  }
0x8c: {  	v4 =	vld.idx.msk [tilespmem:v4+s17+$0x0], $0xffff;
	_ =	sdelay $0x2  }
0x8d: {  	v5 =	vmov s7  }
0x8e: {  	v5 =	vshll.u32 v5, $0x7  }
0x8f: {  	v5 =	vbroadcast v5, $0x0;
	v6 =	vadd.s32 v0, v4  }
0x90: {  	v7 =	vand.u32 $0xFFFFFFF8, v6  }
0x91: {  	v6 =	vand.u32 $0x7, v6;
	v7 =	vadd.s32 v5, v7  }
0x92: {  	v6 =	vor.u32 v6, v7;
	_ =	sdelay $0x2  }
0x93: {  	v7 =	vadd.s32 v1, v4  }
0x94: {  	v8 =	vand.u32 $0xFFFFFFF8, v7  }
0x95: {  	v7 =	vand.u32 $0x7, v7;
	v8 =	vadd.s32 v5, v8;
	v6 =	vld.idx.msk [tilespmem:v6+s10+$0x0], $0xffff  }
0x96: {  	v7 =	vor.u32 v7, v8;
	_ =	sdelay $0x2  }
0x97: {  	s5 =	sadd.s32 $0x40, s5;
	v58 =	vadd.s32 v2, v4  }
0x98: {  	v9 =	vand.u32 $0xFFFFFFF8, v58;
	[tilespmem:s5+$0xFFFFFFE0] =	vst v6  }
0x99: {  	v8 =	vand.u32 $0x7, v58;
	v6 =	vadd.s32 v5, v9;
	v7 =	vld.idx.msk [tilespmem:v7+s10+$0x0], $0xffff  }
0x9a: {  	v6 =	vor.u32 v8, v6;
	_ =	sdelay $0x2  }
0x9b: {  	v4 =	vadd.s32 v3, v4  }
0x9c: {  	v59 =	vand.u32 $0xFFFFFFF8, v4;
	[tilespmem:s5+$0xFFFFFFF0] =	vst v7  }
0x9d: {  	v4 =	vand.u32 $0x7, v4;
	v5 =	vadd.s32 v5, v59;
	v6 =	vld.idx.msk [tilespmem:v6+s10+$0x0], $0xffff  }
0x9e: {  	v4 =	vor.u32 v4, v5;
	_ =	sdelay $0x3  }
0x9f: {  	[tilespmem:s5+$0x0] =	vst v6  }
0xa0: {  	v4 =	vld.idx.msk [tilespmem:v4+s10+$0x0], $0xffff;
	_ =	sdelay $0x1  }
0xa1: {  	s14 =	sshll.u32 s1, $0xF  }
0xa2: {  	s7 =	sadd.s32 s6, s14  }
0xa3: {  	p1 =	seq.s32 s1, $0x19;
	s7 =	sshrl.u32 s7, $0x3  }
0xa4: {  	s25 =	sadd.s32 s2, s7;
	[tilespmem:s5+$0x10] =	vst v4;
	s5 =	sshll.u32 @!p1 s1, $0x9  }
0xa5: {  	[hbm4b:s25+s3] =	stream.linear.scatter [tilespmem:s18], [sflag:$0x5], $0x2000, $0x38;
	[tilespmem:$0x1E800] =	vst v63  }
0xa6: {  	s8 =	simm.s32 @!p1 $0x6800;
	s12 =	sand.u32 @!p1 $0x3FFFFE00, s5  }
0xa7: {  	s14 =	sor.u32 $0x1, s0;
	s7 =	simm.s32 @!p1 $0x80;
	s5 =	sadd.s32 @!p1 $0x200, s12  }
0xa8: {  	[tilespmem:s8], [sflag:$0x1] =	stream.indirect.gather @!p1 [hbm4b:s4+s7], $0x80, s5, s7, $0xb8;
	[tilespmem:$0x1E800] =	vst v63  }
0xa9: {  	s26 =	simm.s32 $0x0;
	s5 =	sshll.u32 s14, $0x7  }
0xaa: {  	_ =	swait.ge [sflag:s19], $0x4000;
	s28 =	sor.u32 s5, s26  }
0xab: {  	[sflag:s19] =	ssyncset.done $0x0;
	v4 =	vmov s28  }
0xac: {  	s8 =	simm.s32 @!p0 $0x6;
	[sflag:s19] =	ssyncadd.s32 $0xFFFFC000  }
0xad: {  	_ =	swait.ge @!p0 [sflag:s8], $0x2000  }
0xae: {  	[sflag:s8] =	ssyncset.done @!p0 $0x0  }
0xaf: {  	[sflag:s8] =	ssyncadd.s32 @!p0 $0xFFFFE000  }
0xb0: {  	v4 =	vld.idx.msk [tilespmem:v4+s17+$0x0], $0xffff;
	_ =	sdelay $0x2  }
0xb1: {  	v5 =	vmov s26  }
0xb2: {  	v5 =	vshll.u32 v5, $0x7  }
0xb3: {  	v5 =	vbroadcast v5, $0x0;
	v6 =	vadd.s32 v0, v4  }
0xb4: {  	v7 =	vand.u32 $0xFFFFFFF8, v6  }
0xb5: {  	v6 =	vand.u32 $0x7, v6;
	v7 =	vadd.s32 v5, v7  }
0xb6: {  	v6 =	vor.u32 v6, v7;
	_ =	sdelay $0x2  }
0xb7: {  	v7 =	vadd.s32 v1, v4  }
0xb8: {  	v60 =	vand.u32 $0xFFFFFFF8, v7  }
0xb9: {  	v7 =	vand.u32 $0x7, v7;
	v8 =	vadd.s32 v5, v60;
	v6 =	vld.idx.msk [tilespmem:v6+s11+$0x0], $0xffff  }
0xba: {  	v7 =	vor.u32 v7, v8;
	_ =	sdelay $0x2  }
0xbb: {  	s7 =	simm.s32 $0x18820;
	v61 =	vadd.s32 v2, v4  }
0xbc: {  	v62 =	vand.u32 $0xFFFFFFF8, v61;
	[tilespmem:s7+$0xFFFFFFE0] =	vst v6  }
0xbd: {  	v8 =	vand.u32 $0x7, v61;
	v6 =	vadd.s32 v5, v62;
	v7 =	vld.idx.msk [tilespmem:v7+s11+$0x0], $0xffff  }
0xbe: {  	v6 =	vor.u32 v8, v6;
	_ =	sdelay $0x2  }
0xbf: {  	v4 =	vadd.s32 v3, v4  }
0xc0: {  	v63 =	vand.u32 $0xFFFFFFF8, v4;
	[tilespmem:s7+$0xFFFFFFF0] =	vst v7  }
0xc1: {  	v4 =	vand.u32 $0x7, v4;
	v5 =	vadd.s32 v5, v63;
	v6 =	vld.idx.msk [tilespmem:v6+s11+$0x0], $0xffff  }
0xc2: {  	v4 =	vor.u32 v4, v5;
	_ =	sdelay $0x3  }
0xc3: {  	s8 =	simm.s32 $0x1;
	[tilespmem:s7+$0x0] =	vst v6  }
0xc4: {  	s26 =	sor.u32 s5, s8;
	v5 =	vld.idx.msk [tilespmem:v4+s11+$0x0], $0xffff  }
0xc5: {  	s25 =	simm.s32 $0x2;
	v4 =	vmov s26;
	s26 =	simm.s32 $0x18820  }
.LBB2_7:
0xc6: {  	_ = 	snop  }
0xc7: {  	p2 =	sne.s32 s25, $0x7F  }
0xc8: {  	s7 =	sadd.s32 $0x40, s7;
	s28 =	smov.u32 s25;
	s25 =	sadd.s32 $0x1, s25  }
0xc9: {  	[tilespmem:s26+$0x10] =	vst v5;
	s26 =	smov.u32 s7  }
0xca: {  	v4 =	vld.idx.msk [tilespmem:v4+s17+$0x0], $0xffff;
	_ =	sdelay $0x2  }
0xcb: {  	v5 =	vmov s8;
	s8 =	smov.u32 s28  }
0xcc: {  	v5 =	vshll.u32 v5, $0x7;
	_ =	sdelay $0x1  }
0xcd: {  	v5 =	vbroadcast v5, $0x0;
	v6 =	vadd.s32 v0, v4;
	v7 =	vadd.s32 v1, v4  }
0xce: {  	v8 =	vand.u32 $0xFFFFFFF8, v6;
	v6 =	vand.u32 $0x7, v6;
	v9 =	vand.u32 $0xFFFFFFF8, v7  }
0xcf: {  	v10 =	vadd.s32 v2, v4;
	v8 =	vadd.s32 v5, v8;
	v9 =	vadd.s32 v5, v9  }
0xd0: {  	v4 =	vadd.s32 v3, v4;
	v6 =	vor.u32 v6, v8;
	v8 =	vand.u32 $0xFFFFFFF8, v10  }
0xd1: {  	v11 =	vand.u32 $0xFFFFFFF8, v4;
	v8 =	vadd.s32 v5, v8  }
0xd2: {  	v5 =	vadd.s32 v5, v11;
	_ =	sdelay $0x2  }
0xd3: {  	v7 =	vand.u32 $0x7, v7;
	v6 =	vld.idx.msk [tilespmem:v6+s11+$0x0], $0xffff  }
0xd4: {  	v7 =	vor.u32 v7, v9;
	_ =	sdelay $0x4  }
0xd5: {  	[tilespmem:s7+$0xFFFFFFE0] =	vst v6  }
0xd6: {  	v6 =	vld.idx.msk [tilespmem:v7+s11+$0x0], $0xffff;
	v7 =	vand.u32 $0x7, v10  }
0xd7: {  	v7 =	vor.u32 v7, v8;
	_ =	sdelay $0x4  }
0xd8: {  	[tilespmem:s7+$0xFFFFFFF0] =	vst v6  }
0xd9: {  	v4 =	vand.u32 $0x7, v4;
	v6 =	vld.idx.msk [tilespmem:v7+s11+$0x0], $0xffff  }
0xda: {  	v4 =	vor.u32 v4, v5;
	_ =	sdelay $0x2  }
.Ltmp4:
0xdb: {  	(pc) =	sbr.rel @p2 .LBB2_7-.Ltmp4, $4  }
0xdc: {  	_ = 	snop  }
0xdd: {  	[tilespmem:s7+$0x0] =	vst v6  }
0xde: {  	s28 =	sor.u32 s5, s8;
	v5 =	vld.idx.msk [tilespmem:v4+s11+$0x0], $0xffff  }
0xdf: {  	v4 =	vmov s28  }
0xe0: {  	_ =	sdelay $0x2  }
0xe1: {  	[tilespmem:s26+$0x10] =	vst v5  }
0xe2: {  	v4 =	vld.idx.msk [tilespmem:v4+s17+$0x0], $0xffff;
	_ =	sdelay $0x2  }
0xe3: {  	v5 =	vmov s8  }
0xe4: {  	v5 =	vshll.u32 v5, $0x7  }
0xe5: {  	v5 =	vbroadcast v5, $0x0;
	v6 =	vadd.s32 v0, v4  }
0xe6: {  	v7 =	vand.u32 $0xFFFFFFF8, v6  }
0xe7: {  	v6 =	vand.u32 $0x7, v6;
	v7 =	vadd.s32 v5, v7  }
0xe8: {  	v6 =	vor.u32 v6, v7;
	_ =	sdelay $0x2  }
0xe9: {  	v7 =	vadd.s32 v1, v4  }
0xea: {  	v8 =	vand.u32 $0xFFFFFFF8, v7  }
0xeb: {  	v7 =	vand.u32 $0x7, v7;
	v8 =	vadd.s32 v5, v8;
	v6 =	vld.idx.msk [tilespmem:v6+s11+$0x0], $0xffff  }
0xec: {  	v7 =	vor.u32 v7, v8;
	_ =	sdelay $0x2  }
0xed: {  	s5 =	sadd.s32 $0x40, s7;
	v58 =	vadd.s32 v2, v4  }
0xee: {  	v9 =	vand.u32 $0xFFFFFFF8, v58;
	[tilespmem:s5+$0xFFFFFFE0] =	vst v6  }
0xef: {  	v8 =	vand.u32 $0x7, v58;
	v6 =	vadd.s32 v5, v9;
	v7 =	vld.idx.msk [tilespmem:v7+s11+$0x0], $0xffff  }
0xf0: {  	v6 =	vor.u32 v8, v6;
	_ =	sdelay $0x2  }
0xf1: {  	v4 =	vadd.s32 v3, v4  }
0xf2: {  	v59 =	vand.u32 $0xFFFFFFF8, v4;
	[tilespmem:s5+$0xFFFFFFF0] =	vst v7  }
0xf3: {  	v4 =	vand.u32 $0x7, v4;
	v5 =	vadd.s32 v5, v59;
	v6 =	vld.idx.msk [tilespmem:v6+s11+$0x0], $0xffff  }
0xf4: {  	v4 =	vor.u32 v4, v5;
	_ =	sdelay $0x3  }
0xf5: {  	[tilespmem:s5+$0x0] =	vst v6  }
0xf6: {  	v4 =	vld.idx.msk [tilespmem:v4+s11+$0x0], $0xffff;
	_ =	sdelay $0x1  }
0xf7: {  	s8 =	sshll.u32 s14, $0xD  }
0xf8: {  	s7 =	sadd.s32 s6, s8  }
0xf9: {  	s7 =	sshrl.u32 s7, $0x3  }
0xfa: {  	s8 =	simm.s32 @!p1 $0xA800;
	s14 =	sadd.s32 s2, s7;
	[tilespmem:s5+$0x10] =	vst v4  }
0xfb: {  	[hbm4b:s14+s3] =	stream.linear.scatter [tilespmem:s20], [sflag:$0x6], $0x2000, $0x38;
	[tilespmem:$0x1E800] =	vst v63  }
0xfc: {  	s7 =	simm.s32 @!p1 $0x80;
	s5 =	sadd.s32 @!p1 $0x280, s12;
	s14 =	sor.u32 $0x2, s0  }
0xfd: {  	[tilespmem:s8], [sflag:$0x2] =	stream.indirect.gather @!p1 [hbm4b:s4+s7], $0x80, s5, s7, $0xb8;
	[tilespmem:$0x1E800] =	vst v63  }
0xfe: {  	s25 =	simm.s32 $0x0;
	s5 =	sshll.u32 s14, $0x7  }
0xff: {  	_ =	swait.ge [sflag:s21], $0x4000;
	s26 =	sor.u32 s5, s25  }
0x100: {  	[sflag:s21] =	ssyncset.done $0x0;
	v4 =	vmov s26  }
0x101: {  	s8 =	simm.s32 @!p0 $0x7;
	[sflag:s21] =	ssyncadd.s32 $0xFFFFC000  }
0x102: {  	_ =	swait.ge @!p0 [sflag:s8], $0x2000  }
0x103: {  	[sflag:s8] =	ssyncset.done @!p0 $0x0  }
0x104: {  	[sflag:s8] =	ssyncadd.s32 @!p0 $0xFFFFE000  }
0x105: {  	v4 =	vld.idx.msk [tilespmem:v4+s17+$0x0], $0xffff;
	_ =	sdelay $0x2  }
0x106: {  	v5 =	vmov s25  }
0x107: {  	v5 =	vshll.u32 v5, $0x7  }
0x108: {  	v5 =	vbroadcast v5, $0x0;
	v6 =	vadd.s32 v0, v4  }
0x109: {  	v7 =	vand.u32 $0xFFFFFFF8, v6  }
0x10a: {  	v6 =	vand.u32 $0x7, v6;
	v7 =	vadd.s32 v5, v7  }
0x10b: {  	v6 =	vor.u32 v6, v7;
	_ =	sdelay $0x2  }
0x10c: {  	v7 =	vadd.s32 v1, v4  }
0x10d: {  	v60 =	vand.u32 $0xFFFFFFF8, v7  }
0x10e: {  	v7 =	vand.u32 $0x7, v7;
	v8 =	vadd.s32 v5, v60;
	v6 =	vld.idx.msk [tilespmem:v6+s13+$0x0], $0xffff  }
0x10f: {  	v7 =	vor.u32 v7, v8;
	_ =	sdelay $0x2  }
0x110: {  	s7 =	simm.s32 $0x1A820;
	v61 =	vadd.s32 v2, v4  }
0x111: {  	v62 =	vand.u32 $0xFFFFFFF8, v61;
	[tilespmem:s7+$0xFFFFFFE0] =	vst v6  }
0x112: {  	v8 =	vand.u32 $0x7, v61;
	v6 =	vadd.s32 v5, v62;
	v7 =	vld.idx.msk [tilespmem:v7+s13+$0x0], $0xffff  }
0x113: {  	v6 =	vor.u32 v8, v6;
	_ =	sdelay $0x2  }
0x114: {  	v4 =	vadd.s32 v3, v4  }
0x115: {  	v63 =	vand.u32 $0xFFFFFFF8, v4;
	[tilespmem:s7+$0xFFFFFFF0] =	vst v7  }
0x116: {  	v4 =	vand.u32 $0x7, v4;
	v5 =	vadd.s32 v5, v63;
	v6 =	vld.idx.msk [tilespmem:v6+s13+$0x0], $0xffff  }
0x117: {  	v4 =	vor.u32 v4, v5;
	_ =	sdelay $0x3  }
0x118: {  	s8 =	simm.s32 $0x1;
	[tilespmem:s7+$0x0] =	vst v6  }
0x119: {  	s28 =	sor.u32 s5, s8;
	v5 =	vld.idx.msk [tilespmem:v4+s13+$0x0], $0xffff  }
0x11a: {  	s25 =	simm.s32 $0x2;
	s26 =	simm.s32 $0x1A820;
	v4 =	vmov s28  }
.LBB2_9:
0x11b: {  	_ = 	snop  }
0x11c: {  	p2 =	sne.s32 s25, $0x7F  }
0x11d: {  	s7 =	sadd.s32 $0x40, s7;
	s28 =	smov.u32 s25;
	s25 =	sadd.s32 $0x1, s25  }
0x11e: {  	[tilespmem:s26+$0x10] =	vst v5;
	s26 =	smov.u32 s7  }
0x11f: {  	v4 =	vld.idx.msk [tilespmem:v4+s17+$0x0], $0xffff;
	_ =	sdelay $0x2  }
0x120: {  	v5 =	vmov s8;
	s8 =	smov.u32 s28  }
0x121: {  	v5 =	vshll.u32 v5, $0x7;
	_ =	sdelay $0x1  }
0x122: {  	v5 =	vbroadcast v5, $0x0;
	v6 =	vadd.s32 v0, v4;
	v7 =	vadd.s32 v1, v4  }
0x123: {  	v8 =	vand.u32 $0xFFFFFFF8, v6;
	v6 =	vand.u32 $0x7, v6;
	v9 =	vand.u32 $0xFFFFFFF8, v7  }
0x124: {  	v10 =	vadd.s32 v2, v4;
	v8 =	vadd.s32 v5, v8;
	v9 =	vadd.s32 v5, v9  }
0x125: {  	v4 =	vadd.s32 v3, v4;
	v6 =	vor.u32 v6, v8;
	v8 =	vand.u32 $0xFFFFFFF8, v10  }
0x126: {  	v11 =	vand.u32 $0xFFFFFFF8, v4;
	v8 =	vadd.s32 v5, v8  }
0x127: {  	v5 =	vadd.s32 v5, v11;
	_ =	sdelay $0x2  }
0x128: {  	v7 =	vand.u32 $0x7, v7;
	v6 =	vld.idx.msk [tilespmem:v6+s13+$0x0], $0xffff  }
0x129: {  	v7 =	vor.u32 v7, v9;
	_ =	sdelay $0x4  }
0x12a: {  	[tilespmem:s7+$0xFFFFFFE0] =	vst v6  }
0x12b: {  	v6 =	vld.idx.msk [tilespmem:v7+s13+$0x0], $0xffff;
	v7 =	vand.u32 $0x7, v10  }
0x12c: {  	v7 =	vor.u32 v7, v8;
	_ =	sdelay $0x4  }
0x12d: {  	[tilespmem:s7+$0xFFFFFFF0] =	vst v6  }
0x12e: {  	v4 =	vand.u32 $0x7, v4;
	v6 =	vld.idx.msk [tilespmem:v7+s13+$0x0], $0xffff  }
0x12f: {  	v4 =	vor.u32 v4, v5;
	_ =	sdelay $0x2  }
.Ltmp5:
0x130: {  	(pc) =	sbr.rel @p2 .LBB2_9-.Ltmp5, $4  }
0x131: {  	_ = 	snop  }
0x132: {  	[tilespmem:s7+$0x0] =	vst v6  }
0x133: {  	s28 =	sor.u32 s5, s8;
	v5 =	vld.idx.msk [tilespmem:v4+s13+$0x0], $0xffff  }
0x134: {  	v4 =	vmov s28  }
0x135: {  	_ =	sdelay $0x2  }
0x136: {  	[tilespmem:s26+$0x10] =	vst v5  }
0x137: {  	v4 =	vld.idx.msk [tilespmem:v4+s17+$0x0], $0xffff;
	_ =	sdelay $0x2  }
0x138: {  	v5 =	vmov s8  }
0x139: {  	v5 =	vshll.u32 v5, $0x7  }
0x13a: {  	v5 =	vbroadcast v5, $0x0;
	v6 =	vadd.s32 v0, v4  }
0x13b: {  	v7 =	vand.u32 $0xFFFFFFF8, v6  }
0x13c: {  	v6 =	vand.u32 $0x7, v6;
	v7 =	vadd.s32 v5, v7  }
0x13d: {  	v6 =	vor.u32 v6, v7;
	_ =	sdelay $0x2  }
0x13e: {  	v7 =	vadd.s32 v1, v4  }
0x13f: {  	v8 =	vand.u32 $0xFFFFFFF8, v7  }
0x140: {  	v7 =	vand.u32 $0x7, v7;
	v8 =	vadd.s32 v5, v8;
	v6 =	vld.idx.msk [tilespmem:v6+s13+$0x0], $0xffff  }
0x141: {  	v7 =	vor.u32 v7, v8;
	_ =	sdelay $0x2  }
0x142: {  	s5 =	sadd.s32 $0x40, s7;
	v58 =	vadd.s32 v2, v4  }
0x143: {  	v9 =	vand.u32 $0xFFFFFFF8, v58;
	[tilespmem:s5+$0xFFFFFFE0] =	vst v6  }
0x144: {  	v8 =	vand.u32 $0x7, v58;
	v6 =	vadd.s32 v5, v9;
	v7 =	vld.idx.msk [tilespmem:v7+s13+$0x0], $0xffff  }
0x145: {  	v6 =	vor.u32 v8, v6;
	_ =	sdelay $0x2  }
0x146: {  	v4 =	vadd.s32 v3, v4  }
0x147: {  	v59 =	vand.u32 $0xFFFFFFF8, v4;
	[tilespmem:s5+$0xFFFFFFF0] =	vst v7  }
0x148: {  	v4 =	vand.u32 $0x7, v4;
	v5 =	vadd.s32 v5, v59;
	v6 =	vld.idx.msk [tilespmem:v6+s13+$0x0], $0xffff  }
0x149: {  	v4 =	vor.u32 v4, v5;
	_ =	sdelay $0x3  }
0x14a: {  	[tilespmem:s5+$0x0] =	vst v6  }
0x14b: {  	v4 =	vld.idx.msk [tilespmem:v4+s13+$0x0], $0xffff;
	_ =	sdelay $0x1  }
0x14c: {  	s8 =	sshll.u32 s14, $0xD  }
0x14d: {  	s7 =	sadd.s32 s6, s8  }
0x14e: {  	s7 =	sshrl.u32 s7, $0x3  }
0x14f: {  	s0 =	sor.u32 $0x3, s0;
	s14 =	sadd.s32 s2, s7;
	[tilespmem:s5+$0x10] =	vst v4  }
0x150: {  	[hbm4b:s14+s3] =	stream.linear.scatter [tilespmem:s22], [sflag:$0x7], $0x2000, $0x38;
	[tilespmem:$0x1E800] =	vst v63  }
0x151: {  	s8 =	simm.s32 @!p1 $0xE800;
	s7 =	simm.s32 @!p1 $0x80;
	s5 =	sadd.s32 @!p1 $0x300, s12  }
0x152: {  	[tilespmem:s8], [sflag:$0x3] =	stream.indirect.gather @!p1 [hbm4b:s4+s7], $0x80, s5, s7, $0xb8;
	[tilespmem:$0x1E800] =	vst v63  }
0x153: {  	s25 =	simm.s32 $0x0;
	s5 =	sshll.u32 s0, $0x7  }
0x154: {  	_ =	swait.ge [sflag:s23], $0x4000;
	s26 =	sor.u32 s5, s25  }
0x155: {  	[sflag:s23] =	ssyncset.done $0x0;
	v4 =	vmov s26  }
0x156: {  	s8 =	simm.s32 @!p0 $0x8;
	[sflag:s23] =	ssyncadd.s32 $0xFFFFC000  }
0x157: {  	_ =	swait.ge @!p0 [sflag:s8], $0x2000  }
0x158: {  	[sflag:s8] =	ssyncset.done @!p0 $0x0  }
0x159: {  	[sflag:s8] =	ssyncadd.s32 @!p0 $0xFFFFE000  }
0x15a: {  	v4 =	vld.idx.msk [tilespmem:v4+s17+$0x0], $0xffff;
	_ =	sdelay $0x2  }
0x15b: {  	v5 =	vmov s25  }
0x15c: {  	v5 =	vshll.u32 v5, $0x7  }
0x15d: {  	v5 =	vbroadcast v5, $0x0;
	v6 =	vadd.s32 v0, v4  }
0x15e: {  	v7 =	vand.u32 $0xFFFFFFF8, v6  }
0x15f: {  	v6 =	vand.u32 $0x7, v6;
	v7 =	vadd.s32 v5, v7  }
0x160: {  	v6 =	vor.u32 v6, v7;
	_ =	sdelay $0x2  }
0x161: {  	v7 =	vadd.s32 v1, v4  }
0x162: {  	v60 =	vand.u32 $0xFFFFFFF8, v7  }
0x163: {  	v7 =	vand.u32 $0x7, v7;
	v8 =	vadd.s32 v5, v60;
	v6 =	vld.idx.msk [tilespmem:v6+s15+$0x0], $0xffff  }
0x164: {  	v7 =	vor.u32 v7, v8;
	_ =	sdelay $0x2  }
0x165: {  	s7 =	simm.s32 $0x1C820;
	v61 =	vadd.s32 v2, v4  }
0x166: {  	v62 =	vand.u32 $0xFFFFFFF8, v61;
	[tilespmem:s7+$0xFFFFFFE0] =	vst v6  }
0x167: {  	v8 =	vand.u32 $0x7, v61;
	v6 =	vadd.s32 v5, v62;
	v7 =	vld.idx.msk [tilespmem:v7+s15+$0x0], $0xffff  }
0x168: {  	v6 =	vor.u32 v8, v6;
	_ =	sdelay $0x2  }
0x169: {  	v4 =	vadd.s32 v3, v4  }
0x16a: {  	v63 =	vand.u32 $0xFFFFFFF8, v4;
	[tilespmem:s7+$0xFFFFFFF0] =	vst v7  }
0x16b: {  	v4 =	vand.u32 $0x7, v4;
	v5 =	vadd.s32 v5, v63;
	v6 =	vld.idx.msk [tilespmem:v6+s15+$0x0], $0xffff  }
0x16c: {  	v4 =	vor.u32 v4, v5;
	_ =	sdelay $0x3  }
0x16d: {  	s8 =	simm.s32 $0x1;
	[tilespmem:s7+$0x0] =	vst v6  }
0x16e: {  	s28 =	sor.u32 s5, s8;
	v5 =	vld.idx.msk [tilespmem:v4+s15+$0x0], $0xffff  }
0x16f: {  	s12 =	simm.s32 $0x2;
	s14 =	simm.s32 $0x1C820;
	v4 =	vmov s28  }
.LBB2_11:
0x170: {  	_ = 	snop  }
0x171: {  	p0 =	sne.s32 s12, $0x7F  }
0x172: {  	s7 =	sadd.s32 $0x40, s7;
	s25 =	smov.u32 s12;
	s12 =	sadd.s32 $0x1, s12  }
0x173: {  	[tilespmem:s14+$0x10] =	vst v5;
	s14 =	smov.u32 s7  }
0x174: {  	v4 =	vld.idx.msk [tilespmem:v4+s17+$0x0], $0xffff;
	_ =	sdelay $0x2  }
0x175: {  	v5 =	vmov s8;
	s8 =	smov.u32 s25  }
0x176: {  	v5 =	vshll.u32 v5, $0x7;
	_ =	sdelay $0x1  }
0x177: {  	v5 =	vbroadcast v5, $0x0;
	v6 =	vadd.s32 v0, v4;
	v7 =	vadd.s32 v1, v4  }
0x178: {  	v8 =	vand.u32 $0xFFFFFFF8, v6;
	v6 =	vand.u32 $0x7, v6;
	v9 =	vand.u32 $0xFFFFFFF8, v7  }
0x179: {  	v10 =	vadd.s32 v2, v4;
	v8 =	vadd.s32 v5, v8;
	v9 =	vadd.s32 v5, v9  }
0x17a: {  	v4 =	vadd.s32 v3, v4;
	v6 =	vor.u32 v6, v8;
	v8 =	vand.u32 $0xFFFFFFF8, v10  }
0x17b: {  	v11 =	vand.u32 $0xFFFFFFF8, v4;
	v8 =	vadd.s32 v5, v8  }
0x17c: {  	v5 =	vadd.s32 v5, v11;
	_ =	sdelay $0x2  }
0x17d: {  	v7 =	vand.u32 $0x7, v7;
	v6 =	vld.idx.msk [tilespmem:v6+s15+$0x0], $0xffff  }
0x17e: {  	v7 =	vor.u32 v7, v9;
	_ =	sdelay $0x4  }
0x17f: {  	[tilespmem:s7+$0xFFFFFFE0] =	vst v6  }
0x180: {  	v6 =	vld.idx.msk [tilespmem:v7+s15+$0x0], $0xffff;
	v7 =	vand.u32 $0x7, v10  }
0x181: {  	v7 =	vor.u32 v7, v8;
	_ =	sdelay $0x4  }
0x182: {  	[tilespmem:s7+$0xFFFFFFF0] =	vst v6  }
0x183: {  	v4 =	vand.u32 $0x7, v4;
	v6 =	vld.idx.msk [tilespmem:v7+s15+$0x0], $0xffff  }
0x184: {  	v4 =	vor.u32 v4, v5;
	_ =	sdelay $0x2  }
.Ltmp6:
0x185: {  	(pc) =	sbr.rel @p0 .LBB2_11-.Ltmp6, $4  }
0x186: {  	_ = 	snop  }
0x187: {  	[tilespmem:s7+$0x0] =	vst v6  }
0x188: {  	s25 =	sor.u32 s5, s8;
	v5 =	vld.idx.msk [tilespmem:v4+s15+$0x0], $0xffff  }
0x189: {  	v4 =	vmov s25  }
0x18a: {  	_ =	sdelay $0x2  }
0x18b: {  	[tilespmem:s14+$0x10] =	vst v5  }
0x18c: {  	v4 =	vld.idx.msk [tilespmem:v4+s17+$0x0], $0xffff;
	_ =	sdelay $0x2  }
0x18d: {  	v5 =	vmov s8  }
0x18e: {  	v5 =	vshll.u32 v5, $0x7  }
0x18f: {  	v5 =	vbroadcast v5, $0x0;
	v6 =	vadd.s32 v0, v4  }
0x190: {  	v7 =	vand.u32 $0xFFFFFFF8, v6  }
0x191: {  	v6 =	vand.u32 $0x7, v6;
	v7 =	vadd.s32 v5, v7  }
0x192: {  	v6 =	vor.u32 v6, v7;
	_ =	sdelay $0x2  }
0x193: {  	v60 =	vadd.s32 v1, v4  }
0x194: {  	v8 =	vand.u32 $0xFFFFFFF8, v60  }
0x195: {  	v8 =	vadd.s32 v5, v8;
	v7 =	vand.u32 $0x7, v60;
	v6 =	vld.idx.msk [tilespmem:v6+s15+$0x0], $0xffff  }
0x196: {  	v7 =	vor.u32 v7, v8;
	_ =	sdelay $0x2  }
0x197: {  	s5 =	sadd.s32 $0x40, s7;
	v61 =	vadd.s32 v2, v4  }
0x198: {  	v9 =	vand.u32 $0xFFFFFFF8, v61;
	[tilespmem:s5+$0xFFFFFFE0] =	vst v6  }
0x199: {  	v62 =	vadd.s32 v5, v9;
	v8 =	vand.u32 $0x7, v61;
	v7 =	vld.idx.msk [tilespmem:v7+s15+$0x0], $0xffff  }
0x19a: {  	v6 =	vor.u32 v8, v62;
	_ =	sdelay $0x2  }
0x19b: {  	v4 =	vadd.s32 v3, v4  }
0x19c: {  	v63 =	vand.u32 $0xFFFFFFF8, v4;
	[tilespmem:s5+$0xFFFFFFF0] =	vst v7  }
0x19d: {  	v4 =	vand.u32 $0x7, v4;
	v5 =	vadd.s32 v5, v63;
	v6 =	vld.idx.msk [tilespmem:v6+s15+$0x0], $0xffff  }
0x19e: {  	v4 =	vor.u32 v4, v5;
	_ =	sdelay $0x3  }
0x19f: {  	[tilespmem:s5+$0x0] =	vst v6  }
0x1a0: {  	v4 =	vld.idx.msk [tilespmem:v4+s15+$0x0], $0xffff;
	_ =	sdelay $0x1  }
.Ltmp7:
0x1a1: {  	s0 =	sshll.u32 s0, $0xD;
	(pc) =	sbr.rel @p1 .LBB2_14-.Ltmp7, $4  }
0x1a2: {  	s0 =	sadd.s32 s6, s0  }
0x1a3: {  	s0 =	sshrl.u32 s0, $0x3  }
0x1a4: {  	s0 =	sadd.s32 s2, s0;
	[tilespmem:s5+$0x10] =	vst v4  }
0x1a5: {  	[hbm4b:s0+s3] =	stream.linear.scatter [tilespmem:s24], [sflag:$0x8], $0x2000, $0x38;
	[tilespmem:$0x1E800] =	vst v63  }
.Ltmp8:
0x1a6: {  	(pc) =	sbr.rel .LBB2_4-.Ltmp8, $4  }
0x1a7: {  	s0 =	sshll.u32 s1, $0x9  }
0x1a8: {  	s0 =	sand.u32 $0x3FFFFE00, s0  }
0x1a9: {  	s1 =	sadd.s32 $0x1, s1;
	s0 =	sadd.s32 $0x380, s0  }
0x1aa: {  	[tilespmem:s15], [sflag:$0x4] =	stream.indirect.gather [hbm4b:s4+s9], $0x80, s0, s9, $0xb8;
	[tilespmem:$0x1E800] =	vst v63  }
.LBB2_15:
0x1ab: {  	_ =	sfence.sel $0x180000  }
0x1ac: {  	[bflag:$0x0] =	sbarrier.arrive $0xFFFF  }
0x1ad: {  	_ =	strace $0x90000047  }
0x1ae: {  	s0 =	stileid.u32;
	[bflag:$0x2] =	sbarrier.arrive $0xFFFF  }
0x1af: {  	p0 =	sne.s32 s0, $0x0;
	s0 =	rddreg [dreg:$0x2]  }
0x1b0: {  	s0 =	sadd.s32 @!p0 $0x100000, s0  }
0x1b1: {  	[sflag:s0] =	ssyncadd.tile.s32 @!p0 $0x1;
	_ =	shalt  }
.Lfunc_end2:
_tile_overlayer_lowered:
.L_overlay_start_2:
0x1b2: {  	(tag) =	ssettag $0x2  }
0x1b3: {  	s0 =	rddreg [dreg:$0x0];
	s2 =	stileid.u32  }
0x1b4: {  	s1 =	rddreg [dreg:$0x1];
	p0 =	sne.s32 s2, $0x0  }
0x1b5: {  	s3 =	rddreg [dreg:$0x2];
	[bflag:$0x3] =	sbarrier.arrive $0xFFFF;
	s2 =	simm.s32 @!p0 $0x1C09  }
0x1b6: {  	[timem:s3], [sflag:s2] =	dma.local @!p0 [hbm:s0], s1  }
0x1b7: {  	s0 =	simm.s32 @!p0 $0x9  }
0x1b8: {  	_ =	swait.ge @!p0 [sflag:s0], s1  }
0x1b9: {  	s1 =	ssub.s32 @!p0 $0x0, s1;
	[sflag:s0] =	ssyncset.done @!p0 $0x0  }
0x1ba: {  	[sflag:s0] =	ssyncadd.s32 @!p0 s1  }
0x1bb: {  	[bflag:$0x3] =	sbarrier.arrive $0xFFFF  }
0x1bc: {  	_ =	shalt  }

// kernel: sparse-core-data-format-call.cloned.1.call-start
scs
called_computation_lowered:
.L_overlay_start_0:
0x0: {  	s2 =	sld [smem:$0x3FD9]  }
0x1: {  	s3 =	sld [smem:$0x3FFE];
	_ =	sdelay $0x1  }
0x2: {  	s1 =	srdreg.scid  }
0x3: {  	s0 =	sand.u32 $0x1, s1  }
0x4: {  	s18 =	sshll.u32 s0, $0xA;
	s2 =	sadd.s32 s3, s2  }
0x5: {  	s2 =	sadd.s32 s2, s18  }
0x6: {  	[smem:$0x3FC6] =	sst s2  }
0x7: {  	_ = 	snop  }
0x8: {  	s2 =	sld [smem:$0x3FD0];
	(tm) =	ssettm $0x1  }
0x9: {  	s19 =	sld [smem:$0x3FFB];
	_ =	sdelay $0x3  }
0xa: {  	_ =	strace s19  }
0xb: {  	s3 =	sld [smem:$0x3FFC];
	_ =	sdelay $0x3  }
0xc: {  	_ =	strace s3  }
0xd: {  	s3 =	sld [smem:$0x3FFD];
	_ =	sdelay $0x3  }
0xe: {  	_ =	strace s3  }
0xf: {  	_ =	strace $0x8FFFFFFF  }
0x10: {  	s20 =	sld [smem:$0x3FDB];
	_ =	sdelay $0x1  }
0x11: {  	s4 =	simm.s32 $_scs_section_size  }
0x12: {  	s5 =	simm.s32 $_size__tile_overlayer_lowered;
	s6 =	simm.s32 $_tile_overlayer_lowered  }
0x13: {  	s23 =	simm.s32 $0x1BFF;
	s22 =	sshll.u32 s6, $0x1;
	s3 =	sadd.s32 s4, s20  }
0x14: {  	s7 =	simm.s32 $0x0;
	s21 =	sshll.u32 s5, $0x1;
	s5 =	sadd.s32 s22, s3  }
0x15: {  	[timem:s7], [sflag:s23] =	dma.local [hbm:s5], s21  }
0x16: {  	_ =	swait.ge [sflag:s23], s21  }
0x17: {  	s4 =	ssub.s32 $0x0, s21;
	[sflag:s23] =	ssyncset.done $0x0  }
0x18: {  	[sflag:s23] =	ssyncadd.s32 s4;
	_ =	sdelay $0x1  }
0x19: {  	s24 =	simm.s32 $0x1B8B  }
0x1a: {  	_ =	swait.ge [sflag:s24], $0x1  }
0x1b: {  	[sflag:s24] =	ssyncset.done $0x0  }
0x1c: {  	s26 =	simm.s32 $0x1B8E;
	s25 =	sld [smem:$0x3FFE];
	[sflag:s24] =	ssyncadd.s32 $0xFFFFFFFF  }
0x1d: {  	s27 =	simm.s32 $execute0_lowered;
	[smem:$0x3FD2] =	sst s26  }
0x1e: {  	s5 =	sshll.u32 s27, $0x1;
	_ =	strace $0x80000049;
	[dreg:$0x1] =	wrdreg $0xFFFFFFFF  }
0x1f: {  	s28 =	simm.s32 $_size_execute0_lowered;
	s3 =	sadd.s32 s3, s5;
	[dreg:$0x0] =	wrdreg $0x0  }
0x20: {  	s5 =	sshll.u32 s28, $0x1;
	[dreg:$0x2] =	wrdreg s3  }
0x21: {  	[dreg:$0x3] =	wrdreg s5  }
0x22: {  	[dreg:$0x4] =	wrdreg $0xC0  }
0x23: {  	_ =	task [dreg:s7], $0x5FFFF  }
0x24: {  	[dreg:$0x1] =	wrdreg $0xFFFFFFFF  }
0x25: {  	[dreg:$0x0] =	wrdreg $0x60  }
0x26: {  	[dreg:$0x2] =	wrdreg s25  }
0x27: {  	[dreg:$0x3] =	wrdreg s2  }
0x28: {  	[dreg:$0x4] =	wrdreg $0x9  }
0x29: {  	_ =	task.clear_ibuf [dreg:s7], $0x5FFFF;
	_ =	strace $0x90000049  }
0x2a: {  	s29 =	simm.s32 $0x9;
	_ =	strace $0x8000004B  }
0x2b: {  	_ =	swait.ge [sflag:s29], $0x1  }
0x2c: {  	[sflag:s29] =	ssyncadd.s32 $0xFFFFFFFF  }
0x2d: {  	_ =	strace $0x9000004B  }
0x2e: {  	_ =	sfence  }
0x2f: {  	s30 =	sld [smem:$0x0];
	_ =	sdelay $0x2  }
0x30: {  	s31 =	sshll.u32 s1, $0xD;
	s1 =	sshrl.u32 s1, $0x2  }
0x31: {  	s3 =	sand.u32 $0x4000, s31;
	s1 =	sadd.s32 s1, s30  }
0x32: {  	s0 =	sor.u32 s3, s0;
	s1 =	sshll.u32 s1, $0x11  }
0x33: {  	s0 =	sor.u32 s1, s0  }
0x34: {  	s0 =	sadd.s32 $0x8F2B, s0  }
0x35: {  	[sflag:s0] =	ssyncadd.remote.s32 $0x1  }
0x36: {  	_ =	sfence.sel $0xFFFF  }
0x37: {  	[dreg:$0x0] =	wrdreg $0xFFFFFFFF;
	(pc) =	sbr.abs _section_cstart, $3  }
0x38: {  	[dreg:$0x1] =	wrdreg $0xFFFFFFFF  }
0x39: {  	_ =	task.clear_ibuf [dreg:s7], $0x2FFFF;
	_ =	strace $0x9FFFFFFF  }
0x3a: {  	(tm) =	ssettm $0x7FFFFFFF  }
0x3b: {  	_ =	shalt  }
tec
execute0_lowered:
.L_overlay_start_1:
0x0: {  	(tag) =	ssettag $0x1  }
0x1: {  	s0 =	srdreg.scid  }
0x2: {  	s1 =	sshll.u32 s0, $0x4  }
0x3: {  	s0 =	stileid.u32;
	s1 =	sand.u32 $0x10, s1  }
0x4: {  	s1 =	sor.u32 s0, s1  }
0x5: {  	s6 =	rddreg [dreg:$0x0];
	s4 =	simm.s32 $0x1;
	s2 =	sshll.u32 s1, $0x7  }
0x6: {  	s7 =	simm.s32 $0x2;
	s12 =	simm.s32 $0x0;
	s1 =	ssub.s32 $0x4000, s2  }
0x7: {  	s8 =	simm.s32 $0x20000;
	s13 =	simm.s32 $0x0;
	s3 =	sand.u32 $0xF80, s1  }
0x8: {  	s9 =	simm.s32 $0x0;
	s5 =	sshrl.u32 s1, $0xC;
	p0 =	sne.s32 s3, $0x0  }
.Ltmp0:
0x9: {  	s1 =	rddreg [dreg:$0x2];
	s4 =	simm.s32 @!p0 $0x0;
	(pc) =	sbr.rel .LBB1_1-.Ltmp0, $4  }
0xa: {  	s11 =	simm.s32 $0x0;
	s3 =	rddreg [dreg:$0x1];
	s5 =	sadd.s32 s4, s5  }
0xb: {  	_ =	strace $0x8000004A;
	s4 =	simm.s32 $0x1;
	s5 =	smul.u32 $0x1A, s5  }
0xc: {  	s6 =	sadd.s32 $0xA00, s6;
	s10 =	smov.u32 s2;
	[sflag:s4] =	ssyncpa.u1 $0x0  }
0xd: {  	p0 =	por $0x0, $0x0;
	[sflag:s7] =	ssyncpa.u1 $0x0;
	s7 =	sor.u32 $0x1, s5  }
.LBB1_4:
0xe: {  	s16 =	sshll.u32 s13, $0x3;
	s17 =	sand.u32 $0x78, s13  }
0xf: {  	s30 =	sand.u32 $0x1F800, s13;
	s12 =	sshll.u32 s12, $0x11;
	s16 =	sand.u32 $0x3C00, s16  }
0x10: {  	[tilespmem:s15+$0x810 ss:$0x81] =	vst.msk $0xffff, v2;
	s31 =	sand.u32 $0x7, s13;
	s16 =	sor.u32 s17, s16;
	s17 =	sadd.s32 s3, s30  }
0x11: {  	[tilespmem:s15+$0x1020 ss:$0x81] =	vst.msk $0xffff, v0;
	s13 =	sshll.u32 s31, $0x12;
	s12 =	sadd.s32 s12, s17;
	s16 =	sshrl.u32 s16, $0x3  }
0x12: {  	[tilespmem:s15+$0x0 ss:$0x81] =	vst.msk $0xffff, v1;
	s13 =	sor.u32 $0x400, s13;
	s12 =	sadd.s32 s16, s12  }
0x13: {  	[hbm4b:s12+s13] =	stream.strided.scatter [tilespmem:s14], [sflag:$0x2], $0x2000, s8, s13, $0x20;
	[tilespmem:$0x8080] =	vst v63  }
.LBB1_5:
0x14: {  	s14 =	sadd.s32 $0x1, s9  }
0x15: {  	s12 =	sadd.s32 $0x1000, s10;
	s16 =	smov.u32 s10;
	p2 =	sgt.s32 s14, $0x19  }
0x16: {  	s16 =	smov.u32 @p2 s12  }
0x17: {  	s14 =	simm.s32 @p2 $0x0;
	p2 =	sgt.s32 s16, $0x3FFF  }
0x18: {  	s16 =	smov.u32 @p2 s2;
	p2 =	sne.s32 s11, s7  }
.Ltmp1:
0x19: {  	p1 =	slt.u32 s11, $0x2;
	(pc) =	sbr.rel @!p2 .LBB1_6-.Ltmp1, $4  }
0x1a: {  	s15 =	simm.s32 @!p1 $0x2  }
0x1b: {  	s13 =	smov.u32 s10;
	p0 =	por !p0, !p0;
	_ =	swait.ge @!p1 [sflag:s15], $0x2000  }
0x1c: {  	s12 =	smov.u32 s9;
	[sflag:s15] =	ssyncset.done @!p1 $0x0;
	s9 =	smov.u32 s14  }
0x1d: {  	s11 =	sadd.s32 $0x1, s11;
	[sflag:s15] =	ssyncadd.s32 @!p1 $0xFFFFE000;
	s10 =	smov.u32 s16  }
.LBB1_1:
0x1e: {  	p1 =	sge.u32 s11, s5  }
0x1f: {  	s31 =	sadd.s32 $0xFFFFFFFF, s11;
	s14 =	sxor.u32 @!p1 $0xFFFFFFFF, s11  }
0x20: {  	s15 =	sshll.u32 @!p1 s10, $0x9;
	s16 =	sshll.u32 @!p1 s9, $0x4;
	s17 =	simm.s32 @!p1 $0x1000  }
0x21: {  	s14 =	sshll.u32 @!p1 s14, $0xD;
	s16 =	sand.u32 @!p1 $0x1F0, s16;
	s15 =	sadd.s32 @!p1 s6, s15  }
0x22: {  	s14 =	sand.u32 @!p1 $0x2000, s14;
	s15 =	sadd.s32 @!p1 s16, s15;
	s16 =	simm.s32 @!p1 $0x40  }
0x23: {  	[tilespmem:s14], [sflag:$0x1] =	stream.strided.gather @!p1 [hbm4b:s15+s16], $0x2000, s17, s16, $0x38;
	[tilespmem:$0x8080] =	vst v63  }
0x24: {  	p1 =	sge.u32 s31, s5  }
.Ltmp2:
0x25: {  	_ = 	snop;
	(pc) =	sbr.rel @p1 .LBB1_5-.Ltmp2, $1  }
0x26: {  	_ =	sdelay $0x3  }
0x27: {  	s14 =	simm.s32 $0x1  }
0x28: {  	_ =	swait.ge [sflag:s4], $0x2000;
	s14 =	simm.s32 @!p0 $0x0  }
0x29: {  	[sflag:s4] =	ssyncset.done $0x0;
	s15 =	sshll.u32 s14, $0xD  }
0x2a: {  	[sflag:s4] =	ssyncadd.s32 $0xFFFFE000;
	s18 =	sor.u32 $0x20, s15  }
0x2b: {  	s14 =	smul.u32 $0x8100, s14;
	v3 =	vld [tilespmem:s18+$0x10]  }
0x2c: {  	s30 =	sand.u32 $0x1, s11;
	v2 =	vld [tilespmem:s18+$0xFFFFFFF0]  }
0x2d: {  	s15 =	smul.u32 $0x8100, s30;
	s14 =	sshrl.u32 s14, $0x2;
	v0 =	vld [tilespmem:s18+$0x0]  }
0x2e: {  	v1 =	vld [tilespmem:s18+$0xFFFFFFE0];
	s16 =	sor.u32 $0x4000, s14  }
0x2f: {  	s31 =	sshrl.u32 s15, $0x2;
	s15 =	sadd.s32 $0x0, s16  }
0x30: {  	s17 =	simm.s32 $0x4;
	s18 =	sadd.s32 $0x40, s18;
	s14 =	sor.u32 $0x4000, s31;
	[tilespmem:s15+$0x1830 ss:$0x81] =	vst.msk $0xffff, v3  }
.LBB1_3:
0x31: {  	v3 =	vld [tilespmem:s18+$0x10];
	p1 =	sne.s32 s17, $0x1FC;
	[tilespmem:s15+$0x810 ss:$0x81] =	vst.msk $0xffff, v2;
	s19 =	smov.u32 s17;
	s17 =	sadd.s32 $0x4, s17  }
.Ltmp3:
0x32: {  	v2 =	vld [tilespmem:s18+$0xFFFFFFF0];
	[tilespmem:s15+$0x1020 ss:$0x81] =	vst.msk $0xffff, v0;
	(pc) =	sbr.rel @p1 .LBB1_3-.Ltmp3, $4  }
0x33: {  	v0 =	vld [tilespmem:s18+$0x0];
	[tilespmem:s15+$0x0 ss:$0x81] =	vst.msk $0xffff, v1  }
0x34: {  	s15 =	sshra.s32 s19, $0x2;
	v1 =	vld [tilespmem:s18+$0xFFFFFFE0]  }
0x35: {  	s15 =	sadd.s32 s15, s16  }
0x36: {  	s18 =	sadd.s32 $0x40, s18;
	[tilespmem:s15+$0x1830 ss:$0x81] =	vst.msk $0xffff, v3  }
.Ltmp4:
0x37: {  	_ = 	snop;
	(pc) =	sbr.rel .LBB1_4-.Ltmp4, $1  }
0x38: {  	_ =	sdelay $0x3  }
.LBB1_6:
0x39: {  	_ =	sfence.sel $0x180000  }
0x3a: {  	s2 =	simm.s32 $0x1;
	[bflag:$0x0] =	sbarrier.arrive $0xFFFF  }
0x3b: {  	s31 =	simm.s32 $0x2;
	[sflag:s2] =	ssyncpa.u1 $0x1  }
0x3c: {  	[sflag:s31] =	ssyncpa.u1 $0x1  }
0x3d: {  	p0 =	sne.s32 s0, $0x0;
	_ =	strace $0x9000004A  }
0x3e: {  	s0 =	sadd.s32 @!p0 $0x100000, s1;
	[bflag:$0x2] =	sbarrier.arrive $0xFFFF  }
0x3f: {  	[sflag:s0] =	ssyncadd.tile.s32 @!p0 $0x1;
	_ =	shalt  }
.Lfunc_end1:
_tile_overlayer_lowered:
.L_overlay_start_2:
0x40: {  	(tag) =	ssettag $0x2  }
0x41: {  	s0 =	rddreg [dreg:$0x0];
	s2 =	stileid.u32  }
0x42: {  	s1 =	rddreg [dreg:$0x1];
	p0 =	sne.s32 s2, $0x0  }
0x43: {  	s3 =	rddreg [dreg:$0x2];
	[bflag:$0x3] =	sbarrier.arrive $0xFFFF;
	s2 =	simm.s32 @!p0 $0x1C01  }
0x44: {  	[timem:s3], [sflag:s2] =	dma.local @!p0 [hbm:s0], s1  }
0x45: {  	s0 =	simm.s32 @!p0 $0x1  }
0x46: {  	_ =	swait.ge @!p0 [sflag:s0], s1  }
0x47: {  	s1 =	ssub.s32 @!p0 $0x0, s1;
	[sflag:s0] =	ssyncset.done @!p0 $0x0  }
0x48: {  	[sflag:s0] =	ssyncadd.s32 @!p0 s1  }
0x49: {  	[bflag:$0x3] =	sbarrier.arrive $0xFFFF  }
0x4a: {  	_ =	shalt  }

</sc_bundles>
